<compile_context>
chip_gen: v7x
topology: tpu7x:2x2x1
jax: 0.10.2.dev20260603
libtpu: 0.0.44.dev20260713+nightly
codegen_flags: <defaults>
</compile_context>

<pallas_src>
import functools

import jax
import jax.numpy as jnp
from jax import lax
from jax.experimental import pallas as pl
from jax.experimental.pallas import tpu as pltpu
from jax.experimental.pallas import tpu_sc as plsc

DIM = 64
LANES = 16
NUM_CORES = 2
NUM_SUBCORES = 16
NUM_WORKERS = NUM_CORES * NUM_SUBCORES
CHUNK = 128


def _sc_partial_scores(user_idx, pos_idx, neg_idx, user_table, item_table,
                       batch):
    b_per_w = batch // NUM_WORKERS
    n_chunks = b_per_w // CHUNK

    mesh = plsc.VectorSubcoreMesh(core_axis_name="c", subcore_axis_name="s")

    @functools.partial(
        pl.kernel,
        mesh=mesh,
        out_type=jax.ShapeDtypeStruct((batch, LANES), jnp.float32),
        compiler_params=pltpu.CompilerParams(use_tc_tiling_on_sc=False),
        scratch_types=[
            pltpu.VMEM((n_chunks, CHUNK), jnp.int32),
            pltpu.VMEM((n_chunks, CHUNK), jnp.int32),
            pltpu.VMEM((n_chunks, CHUNK), jnp.int32),
            pltpu.VMEM((b_per_w, DIM), jnp.float32),
            pltpu.VMEM((b_per_w, DIM), jnp.float32),
            pltpu.VMEM((b_per_w, DIM), jnp.float32),
            pltpu.VMEM((b_per_w, LANES), jnp.float32),
            pltpu.SemaphoreType.DMA,
        ],
    )
    def sc_kernel(user_hbm, pos_hbm, neg_hbm, ut_hbm, it_hbm, out_hbm,
                  idx_u, idx_p, idx_n, u_v, p_v, n_v, o_v, sem):
        wid = lax.axis_index("s") * NUM_CORES + lax.axis_index("c")
        base = wid * b_per_w

        copies = []
        for j in range(n_chunks):
            pltpu.sync_copy(user_hbm.at[wid, j], idx_u.at[j])
            pltpu.sync_copy(pos_hbm.at[wid, j], idx_p.at[j])
            pltpu.sync_copy(neg_hbm.at[wid, j], idx_n.at[j])
            dst = pl.ds(j * CHUNK, CHUNK)
            copies.append(pltpu.async_copy(ut_hbm.at[idx_u.at[j]],
                                           u_v.at[dst], sem))
            copies.append(pltpu.async_copy(it_hbm.at[idx_p.at[j]],
                                           p_v.at[dst], sem))
            copies.append(pltpu.async_copy(it_hbm.at[idx_n.at[j]],
                                           n_v.at[dst], sem))
        for c in copies:
            c.wait()

        def body(i, carry):
            acc = jnp.zeros((LANES,), jnp.float32)
            for c in range(DIM // LANES):
                sl = pl.ds(c * LANES, LANES)
                uu = u_v[i, sl]
                pp = p_v[i, sl]
                nn = n_v[i, sl]
                acc = acc + uu * (pp - nn)
            o_v[i, :] = acc
            return carry

        lax.fori_loop(0, b_per_w, body, 0)

        pltpu.sync_copy(o_v, out_hbm.at[pl.ds(base, b_per_w)])

    u3 = user_idx.reshape(NUM_WORKERS, n_chunks, CHUNK)
    p3 = pos_idx.reshape(NUM_WORKERS, n_chunks, CHUNK)
    n3 = neg_idx.reshape(NUM_WORKERS, n_chunks, CHUNK)
    return sc_kernel(u3, p3, n3, user_table, item_table)


def _tc_loss_body(w_ref, o_ref):
    w = w_ref[...]
    tmp = jnp.sum(w, axis=1)
    bpr = jnp.maximum(-tmp, 0.0) + jnp.log1p(jnp.exp(-jnp.abs(tmp)))
    o_ref[0, 0] = jnp.sum(bpr)


def kernel(user, pos, neg, user_table, item_table):
    batch = user.shape[0]
    partial = _sc_partial_scores(
        user.astype(jnp.int32), pos.astype(jnp.int32), neg.astype(jnp.int32),
        user_table, item_table, batch)
    loss = pl.pallas_call(
        _tc_loss_body,
        out_shape=jax.ShapeDtypeStruct((1, 1), jnp.float32),
        in_specs=[pl.BlockSpec(memory_space=pltpu.VMEM)],
        out_specs=pl.BlockSpec(memory_space=pltpu.SMEM),
    )(partial)
    return loss[0, 0]

# --- scband reference (transcript-rebuilt; emitter-appended) ---
"""Pipeline reference for scband-matrix-factorization-69578470195420 (READ-ONLY COPY).

The authoritative reference and input builder live on the scoring server;
editing this copy changes nothing except your own understanding.
"""

import jax, jax.numpy as jnp
import numpy as np

NUM_USERS = 1000000
NUM_ITEMS = 1000000
DIM = 64
BATCH = 16384

def setup_inputs(seed: int = 0) -> dict:
    key = jax.random.key(seed)
    k1, k2, k3, k4, k5 = jax.random.split(key, 5)
    user = jax.random.randint(k1, (BATCH,), 0, NUM_USERS, dtype=jnp.int64 if jax.config.jax_enable_x64 else jnp.int32)
    pos = jax.random.randint(k2, (BATCH,), 0, NUM_ITEMS, dtype=jnp.int64 if jax.config.jax_enable_x64 else jnp.int32)
    neg = jax.random.randint(k3, (BATCH,), 0, NUM_ITEMS, dtype=jnp.int64 if jax.config.jax_enable_x64 else jnp.int32)
    # Xavier-uniform init for embedding tables (fan_in=num_rows, fan_out=dim)
    u_limit = float(np.sqrt(6.0 / (NUM_USERS + DIM)))
    i_limit = float(np.sqrt(6.0 / (NUM_ITEMS + DIM)))
    user_table = jax.random.uniform(k4, (NUM_USERS, DIM), minval=-u_limit, maxval=u_limit, dtype=jnp.float32)
    item_table = jax.random.uniform(k5, (NUM_ITEMS, DIM), minval=-i_limit, maxval=i_limit, dtype=jnp.float32)
    return {"user": user, "pos": pos, "neg": neg, "user_table": user_table, "item_table": item_table}

def reference(user, pos, neg, user_table, item_table):
    # embedding lookups
    user_emb = jnp.take(user_table, user, axis=0)
    pos_emb = jnp.take(item_table, pos, axis=0)
    neg_emb = jnp.take(item_table, neg, axis=0)
    # BPR loss
    pos_scores = jnp.sum(user_emb * pos_emb, axis=1, keepdims=True)
    neg_scores = jnp.sum(user_emb * neg_emb, axis=1, keepdims=True)
    tmp = pos_scores - neg_scores
    bpr = -jax.nn.log_sigmoid(tmp)
    batch_loss = jnp.sum(bpr)
    return batch_loss

if __name__ == "__main__":
    import jax
    _d = setup_inputs()
    print(jax.jit(kernel)(*tuple(_d.values())))

</pallas_src>

<mosaic_0001>
#map = affine_map<(d0, d1) -> (0, 0, 0)>
#map1 = affine_map<(d0, d1) -> (0, 0)>
module attributes {stable_mosaic.version = 14 : i64} {
  func.func @sc_kernel(%arg0: i32, %arg1: i32, %arg2: memref<32x4x128xi32, #tpu.memory_space<hbm>>, %arg3: memref<32x4x128xi32, #tpu.memory_space<hbm>>, %arg4: memref<32x4x128xi32, #tpu.memory_space<hbm>>, %arg5: memref<1000000x64xf32, #tpu.memory_space<hbm>>, %arg6: memref<1000000x64xf32, #tpu.memory_space<hbm>>, %arg7: memref<16384x16xf32, #tpu.memory_space<hbm>>, %arg8: memref<4x128xi32, #tpu.memory_space<vmem>>, %arg9: memref<4x128xi32, #tpu.memory_space<vmem>>, %arg10: memref<4x128xi32, #tpu.memory_space<vmem>>, %arg11: memref<512x64xf32, #tpu.memory_space<vmem>>, %arg12: memref<512x64xf32, #tpu.memory_space<vmem>>, %arg13: memref<512x64xf32, #tpu.memory_space<vmem>>, %arg14: memref<512x16xf32, #tpu.memory_space<vmem>>, %arg15: memref<!tpu.dma_semaphore, #tpu.memory_space<semaphore_mem>>) attributes {dimension_semantics = [#tpu.dimension_semantics<core_parallel>, #tpu.dimension_semantics<subcore_parallel>], iteration_bounds = array<i64: 2, 16>, scalar_prefetch = 0 : i64, scratch_operands = 8 : i64, tpu.core_type = #tpu.core_type<sc_vector_subcore>, window_params = [{transform_indices = #map}, {transform_indices = #map}, {transform_indices = #map}, {transform_indices = #map1}, {transform_indices = #map1}, {transform_indices = #map1}]} {
    %mul3A = arith.constant 2 : i32
    %mul3A_0 = arith.muli %arg1, %mul3A : i32
    %add3A = arith.addi %mul3A_0, %arg0 : i32
    %mul3A_1 = arith.constant 512 : i32
    %mul3A_2 = arith.muli %add3A, %mul3A_1 : i32
    %run_scoped3A = arith.constant 0 : i32
    %run_scoped3A_3 = arith.constant 0 : i32
    "tpu.region"() ({
      %run_scoped3A_269 = tpu.sem_alloc : memref<!tpu.dma_semaphore, #tpu.memory_space<semaphore_mem>>
      %dma_start3A_270 = arith.constant 0 : i32
      %dma_start3A_271 = tpu.memref_slice %arg8[%run_scoped3A_3, %dma_start3A_270] : memref<4x128xi32, #tpu.memory_space<vmem>> -> memref<1x128xi32, #tpu.memory_space<vmem>>
      %dma_start3A_272 = tpu.memref_squeeze %dma_start3A_271 : memref<1x128xi32, #tpu.memory_space<vmem>> -> memref<128xi32, #tpu.memory_space<vmem>>
      %dma_start3A_273 = arith.constant 0 : i32
      %dma_start3A_274 = tpu.memref_slice %arg2[%add3A, %run_scoped3A, %dma_start3A_273] : memref<32x4x128xi32, #tpu.memory_space<hbm>> -> memref<1x1x128xi32, #tpu.memory_space<hbm>>
      %dma_start3A_275 = tpu.memref_squeeze %dma_start3A_274 : memref<1x1x128xi32, #tpu.memory_space<hbm>> -> memref<128xi32, #tpu.memory_space<hbm>>
      %dma_start3A_276 = arith.constant 0 : i32
      %dma_start3A_277 = tpu.memref_slice %arg8[%run_scoped3A_3, %dma_start3A_276] : memref<4x128xi32, #tpu.memory_space<vmem>> -> memref<1x128xi32, #tpu.memory_space<vmem>>
      %dma_start3A_278 = tpu.memref_squeeze %dma_start3A_277 : memref<1x128xi32, #tpu.memory_space<vmem>> -> memref<128xi32, #tpu.memory_space<vmem>>
      %dma_start3A_279 = arith.constant 0 : i32
      %dma_start3A_280 = tpu.memref_slice %arg2[%add3A, %run_scoped3A, %dma_start3A_279] : memref<32x4x128xi32, #tpu.memory_space<hbm>> -> memref<1x1x128xi32, #tpu.memory_space<hbm>>
      %dma_start3A_281 = tpu.memref_squeeze %dma_start3A_280 : memref<1x1x128xi32, #tpu.memory_space<hbm>> -> memref<128xi32, #tpu.memory_space<hbm>>
      tpu.enqueue_dma source(%dma_start3A_281 : memref<128xi32, #tpu.memory_space<hbm>>) target(%dma_start3A_278 : memref<128xi32, #tpu.memory_space<vmem>>) target_semaphore(%run_scoped3A_269 : memref<!tpu.dma_semaphore, #tpu.memory_space<semaphore_mem>>)
      %dma_wait3A_282 = arith.constant 0 : i32
      %dma_wait3A_283 = tpu.memref_slice %arg8[%run_scoped3A_3, %dma_wait3A_282] : memref<4x128xi32, #tpu.memory_space<vmem>> -> memref<1x128xi32, #tpu.memory_space<vmem>>
      %dma_wait3A_284 = tpu.memref_squeeze %dma_wait3A_283 : memref<1x128xi32, #tpu.memory_space<vmem>> -> memref<128xi32, #tpu.memory_space<vmem>>
      %dma_wait3A_285 = arith.constant 0 : i32
      %dma_wait3A_286 = tpu.memref_slice %arg2[%add3A, %run_scoped3A, %dma_wait3A_285] : memref<32x4x128xi32, #tpu.memory_space<hbm>> -> memref<1x1x128xi32, #tpu.memory_space<hbm>>
      %dma_wait3A_287 = tpu.memref_squeeze %dma_wait3A_286 : memref<1x1x128xi32, #tpu.memory_space<hbm>> -> memref<128xi32, #tpu.memory_space<hbm>>
      %dma_wait3A_288 = arith.constant 0 : i32
      %dma_wait3A_289 = tpu.memref_slice %arg8[%run_scoped3A_3, %dma_wait3A_288] : memref<4x128xi32, #tpu.memory_space<vmem>> -> memref<1x128xi32, #tpu.memory_space<vmem>>
      %dma_wait3A_290 = tpu.memref_squeeze %dma_wait3A_289 : memref<1x128xi32, #tpu.memory_space<vmem>> -> memref<128xi32, #tpu.memory_space<vmem>>
      %dma_wait3A_291 = arith.constant 0 : i32
      %dma_wait3A_292 = tpu.memref_slice %arg2[%add3A, %run_scoped3A, %dma_wait3A_291] : memref<32x4x128xi32, #tpu.memory_space<hbm>> -> memref<1x1x128xi32, #tpu.memory_space<hbm>>
      %dma_wait3A_293 = tpu.memref_squeeze %dma_wait3A_292 : memref<1x1x128xi32, #tpu.memory_space<hbm>> -> memref<128xi32, #tpu.memory_space<hbm>>
      tpu.wait_dma2 semaphore(%run_scoped3A_269 : memref<!tpu.dma_semaphore, #tpu.memory_space<semaphore_mem>>) src(%dma_wait3A_293 : memref<128xi32, #tpu.memory_space<hbm>>) dst(%dma_wait3A_290 : memref<128xi32, #tpu.memory_space<vmem>>)
      tpu.yield
    }) : () -> ()
    %run_scoped3A_4 = arith.constant 0 : i32
    %run_scoped3A_5 = arith.constant 0 : i32
    "tpu.region"() ({
      %run_scoped3A_269 = tpu.sem_alloc : memref<!tpu.dma_semaphore, #tpu.memory_space<semaphore_mem>>
      %dma_start3A_270 = arith.constant 0 : i32
      %dma_start3A_271 = tpu.memref_slice %arg9[%run_scoped3A_5, %dma_start3A_270] : memref<4x128xi32, #tpu.memory_space<vmem>> -> memref<1x128xi32, #tpu.memory_space<vmem>>
      %dma_start3A_272 = tpu.memref_squeeze %dma_start3A_271 : memref<1x128xi32, #tpu.memory_space<vmem>> -> memref<128xi32, #tpu.memory_space<vmem>>
      %dma_start3A_273 = arith.constant 0 : i32
      %dma_start3A_274 = tpu.memref_slice %arg3[%add3A, %run_scoped3A_4, %dma_start3A_273] : memref<32x4x128xi32, #tpu.memory_space<hbm>> -> memref<1x1x128xi32, #tpu.memory_space<hbm>>
      %dma_start3A_275 = tpu.memref_squeeze %dma_start3A_274 : memref<1x1x128xi32, #tpu.memory_space<hbm>> -> memref<128xi32, #tpu.memory_space<hbm>>
      %dma_start3A_276 = arith.constant 0 : i32
      %dma_start3A_277 = tpu.memref_slice %arg9[%run_scoped3A_5, %dma_start3A_276] : memref<4x128xi32, #tpu.memory_space<vmem>> -> memref<1x128xi32, #tpu.memory_space<vmem>>
      %dma_start3A_278 = tpu.memref_squeeze %dma_start3A_277 : memref<1x128xi32, #tpu.memory_space<vmem>> -> memref<128xi32, #tpu.memory_space<vmem>>
      %dma_start3A_279 = arith.constant 0 : i32
      %dma_start3A_280 = tpu.memref_slice %arg3[%add3A, %run_scoped3A_4, %dma_start3A_279] : memref<32x4x128xi32, #tpu.memory_space<hbm>> -> memref<1x1x128xi32, #tpu.memory_space<hbm>>
      %dma_start3A_281 = tpu.memref_squeeze %dma_start3A_280 : memref<1x1x128xi32, #tpu.memory_space<hbm>> -> memref<128xi32, #tpu.memory_space<hbm>>
      tpu.enqueue_dma source(%dma_start3A_281 : memref<128xi32, #tpu.memory_space<hbm>>) target(%dma_start3A_278 : memref<128xi32, #tpu.memory_space<vmem>>) target_semaphore(%run_scoped3A_269 : memref<!tpu.dma_semaphore, #tpu.memory_space<semaphore_mem>>)
      %dma_wait3A_282 = arith.constant 0 : i32
      %dma_wait3A_283 = tpu.memref_slice %arg9[%run_scoped3A_5, %dma_wait3A_282] : memref<4x128xi32, #tpu.memory_space<vmem>> -> memref<1x128xi32, #tpu.memory_space<vmem>>
      %dma_wait3A_284 = tpu.memref_squeeze %dma_wait3A_283 : memref<1x128xi32, #tpu.memory_space<vmem>> -> memref<128xi32, #tpu.memory_space<vmem>>
      %dma_wait3A_285 = arith.constant 0 : i32
      %dma_wait3A_286 = tpu.memref_slice %arg3[%add3A, %run_scoped3A_4, %dma_wait3A_285] : memref<32x4x128xi32, #tpu.memory_space<hbm>> -> memref<1x1x128xi32, #tpu.memory_space<hbm>>
      %dma_wait3A_287 = tpu.memref_squeeze %dma_wait3A_286 : memref<1x1x128xi32, #tpu.memory_space<hbm>> -> memref<128xi32, #tpu.memory_space<hbm>>
      %dma_wait3A_288 = arith.constant 0 : i32
      %dma_wait3A_289 = tpu.memref_slice %arg9[%run_scoped3A_5, %dma_wait3A_288] : memref<4x128xi32, #tpu.memory_space<vmem>> -> memref<1x128xi32, #tpu.memory_space<vmem>>
      %dma_wait3A_290 = tpu.memref_squeeze %dma_wait3A_289 : memref<1x128xi32, #tpu.memory_space<vmem>> -> memref<128xi32, #tpu.memory_space<vmem>>
      %dma_wait3A_291 = arith.constant 0 : i32
      %dma_wait3A_292 = tpu.memref_slice %arg3[%add3A, %run_scoped3A_4, %dma_wait3A_291] : memref<32x4x128xi32, #tpu.memory_space<hbm>> -> memref<1x1x128xi32, #tpu.memory_space<hbm>>
      %dma_wait3A_293 = tpu.memref_squeeze %dma_wait3A_292 : memref<1x1x128xi32, #tpu.memory_space<hbm>> -> memref<128xi32, #tpu.memory_space<hbm>>
      tpu.wait_dma2 semaphore(%run_scoped3A_269 : memref<!tpu.dma_semaphore, #tpu.memory_space<semaphore_mem>>) src(%dma_wait3A_293 : memref<128xi32, #tpu.memory_space<hbm>>) dst(%dma_wait3A_290 : memref<128xi32, #tpu.memory_space<vmem>>)
      tpu.yield
    }) : () -> ()
    %run_scoped3A_6 = arith.constant 0 : i32
    %run_scoped3A_7 = arith.constant 0 : i32
    "tpu.region"() ({
      %run_scoped3A_269 = tpu.sem_alloc : memref<!tpu.dma_semaphore, #tpu.memory_space<semaphore_mem>>
      %dma_start3A_270 = arith.constant 0 : i32
      %dma_start3A_271 = tpu.memref_slice %arg10[%run_scoped3A_7, %dma_start3A_270] : memref<4x128xi32, #tpu.memory_space<vmem>> -> memref<1x128xi32, #tpu.memory_space<vmem>>
      %dma_start3A_272 = tpu.memref_squeeze %dma_start3A_271 : memref<1x128xi32, #tpu.memory_space<vmem>> -> memref<128xi32, #tpu.memory_space<vmem>>
      %dma_start3A_273 = arith.constant 0 : i32
      %dma_start3A_274 = tpu.memref_slice %arg4[%add3A, %run_scoped3A_6, %dma_start3A_273] : memref<32x4x128xi32, #tpu.memory_space<hbm>> -> memref<1x1x128xi32, #tpu.memory_space<hbm>>
      %dma_start3A_275 = tpu.memref_squeeze %dma_start3A_274 : memref<1x1x128xi32, #tpu.memory_space<hbm>> -> memref<128xi32, #tpu.memory_space<hbm>>
      %dma_start3A_276 = arith.constant 0 : i32
      %dma_start3A_277 = tpu.memref_slice %arg10[%run_scoped3A_7, %dma_start3A_276] : memref<4x128xi32, #tpu.memory_space<vmem>> -> memref<1x128xi32, #tpu.memory_space<vmem>>
      %dma_start3A_278 = tpu.memref_squeeze %dma_start3A_277 : memref<1x128xi32, #tpu.memory_space<vmem>> -> memref<128xi32, #tpu.memory_space<vmem>>
      %dma_start3A_279 = arith.constant 0 : i32
      %dma_start3A_280 = tpu.memref_slice %arg4[%add3A, %run_scoped3A_6, %dma_start3A_279] : memref<32x4x128xi32, #tpu.memory_space<hbm>> -> memref<1x1x128xi32, #tpu.memory_space<hbm>>
      %dma_start3A_281 = tpu.memref_squeeze %dma_start3A_280 : memref<1x1x128xi32, #tpu.memory_space<hbm>> -> memref<128xi32, #tpu.memory_space<hbm>>
      tpu.enqueue_dma source(%dma_start3A_281 : memref<128xi32, #tpu.memory_space<hbm>>) target(%dma_start3A_278 : memref<128xi32, #tpu.memory_space<vmem>>) target_semaphore(%run_scoped3A_269 : memref<!tpu.dma_semaphore, #tpu.memory_space<semaphore_mem>>)
      %dma_wait3A_282 = arith.constant 0 : i32
      %dma_wait3A_283 = tpu.memref_slice %arg10[%run_scoped3A_7, %dma_wait3A_282] : memref<4x128xi32, #tpu.memory_space<vmem>> -> memref<1x128xi32, #tpu.memory_space<vmem>>
      %dma_wait3A_284 = tpu.memref_squeeze %dma_wait3A_283 : memref<1x128xi32, #tpu.memory_space<vmem>> -> memref<128xi32, #tpu.memory_space<vmem>>
      %dma_wait3A_285 = arith.constant 0 : i32
      %dma_wait3A_286 = tpu.memref_slice %arg4[%add3A, %run_scoped3A_6, %dma_wait3A_285] : memref<32x4x128xi32, #tpu.memory_space<hbm>> -> memref<1x1x128xi32, #tpu.memory_space<hbm>>
      %dma_wait3A_287 = tpu.memref_squeeze %dma_wait3A_286 : memref<1x1x128xi32, #tpu.memory_space<hbm>> -> memref<128xi32, #tpu.memory_space<hbm>>
      %dma_wait3A_288 = arith.constant 0 : i32
      %dma_wait3A_289 = tpu.memref_slice %arg10[%run_scoped3A_7, %dma_wait3A_288] : memref<4x128xi32, #tpu.memory_space<vmem>> -> memref<1x128xi32, #tpu.memory_space<vmem>>
      %dma_wait3A_290 = tpu.memref_squeeze %dma_wait3A_289 : memref<1x128xi32, #tpu.memory_space<vmem>> -> memref<128xi32, #tpu.memory_space<vmem>>
      %dma_wait3A_291 = arith.constant 0 : i32
      %dma_wait3A_292 = tpu.memref_slice %arg4[%add3A, %run_scoped3A_6, %dma_wait3A_291] : memref<32x4x128xi32, #tpu.memory_space<hbm>> -> memref<1x1x128xi32, #tpu.memory_space<hbm>>
      %dma_wait3A_293 = tpu.memref_squeeze %dma_wait3A_292 : memref<1x1x128xi32, #tpu.memory_space<hbm>> -> memref<128xi32, #tpu.memory_space<hbm>>
      tpu.wait_dma2 semaphore(%run_scoped3A_269 : memref<!tpu.dma_semaphore, #tpu.memory_space<semaphore_mem>>) src(%dma_wait3A_293 : memref<128xi32, #tpu.memory_space<hbm>>) dst(%dma_wait3A_290 : memref<128xi32, #tpu.memory_space<vmem>>)
      tpu.yield
    }) : () -> ()
    %dma_start3A = arith.constant 0 : i32
    %dma_start3A_8 = arith.constant 0 : i32
    %dma_start3A_9 = arith.constant 0 : i32
    %dma_start3A_10 = tpu.memref_slice %arg11[%dma_start3A_8, %dma_start3A_9] : memref<512x64xf32, #tpu.memory_space<vmem>> -> memref<128x64xf32, #tpu.memory_space<vmem>>
    %dma_start3A_11 = arith.constant 0 : i32
    %dma_start3A_12 = tpu.memref_slice %arg8[%dma_start3A, %dma_start3A_11] : memref<4x128xi32, #tpu.memory_space<vmem>> -> memref<1x128xi32, #tpu.memory_space<vmem>>
    %dma_start3A_13 = tpu.memref_squeeze %dma_start3A_12 : memref<1x128xi32, #tpu.memory_space<vmem>> -> memref<128xi32, #tpu.memory_space<vmem>>
    %dma_start3A_14 = arith.constant 0 : i32
    %dma_start3A_15 = arith.constant 0 : i32
    %dma_start3A_16 = tpu.memref_slice %arg5[%dma_start3A_14, %dma_start3A_15] : memref<1000000x64xf32, #tpu.memory_space<hbm>> -> memref<1000000x64xf32, #tpu.memory_space<hbm>>
    tpu.enqueue_indirect_dma source(%dma_start3A_16 : memref<1000000x64xf32, #tpu.memory_space<hbm>>) target(%dma_start3A_10 : memref<128x64xf32, #tpu.memory_space<vmem>>) offsets(%dma_start3A_13 : memref<128xi32, #tpu.memory_space<vmem>>) semaphore(%arg15 : memref<!tpu.dma_semaphore, #tpu.memory_space<semaphore_mem>>)
    %dma_start3A_17 = arith.constant 0 : i32
    %dma_start3A_18 = arith.constant 0 : i32
    %dma_start3A_19 = arith.constant 0 : i32
    %dma_start3A_20 = tpu.memref_slice %arg12[%dma_start3A_18, %dma_start3A_19] : memref<512x64xf32, #tpu.memory_space<vmem>> -> memref<128x64xf32, #tpu.memory_space<vmem>>
    %dma_start3A_21 = arith.constant 0 : i32
    %dma_start3A_22 = tpu.memref_slice %arg9[%dma_start3A_17, %dma_start3A_21] : memref<4x128xi32, #tpu.memory_space<vmem>> -> memref<1x128xi32, #tpu.memory_space<vmem>>
    %dma_start3A_23 = tpu.memref_squeeze %dma_start3A_22 : memref<1x128xi32, #tpu.memory_space<vmem>> -> memref<128xi32, #tpu.memory_space<vmem>>
    %dma_start3A_24 = arith.constant 0 : i32
    %dma_start3A_25 = arith.constant 0 : i32
    %dma_start3A_26 = tpu.memref_slice %arg6[%dma_start3A_24, %dma_start3A_25] : memref<1000000x64xf32, #tpu.memory_space<hbm>> -> memref<1000000x64xf32, #tpu.memory_space<hbm>>
    tpu.enqueue_indirect_dma source(%dma_start3A_26 : memref<1000000x64xf32, #tpu.memory_space<hbm>>) target(%dma_start3A_20 : memref<128x64xf32, #tpu.memory_space<vmem>>) offsets(%dma_start3A_23 : memref<128xi32, #tpu.memory_space<vmem>>) semaphore(%arg15 : memref<!tpu.dma_semaphore, #tpu.memory_space<semaphore_mem>>)
    %dma_start3A_27 = arith.constant 0 : i32
    %dma_start3A_28 = arith.constant 0 : i32
    %dma_start3A_29 = arith.constant 0 : i32
    %dma_start3A_30 = tpu.memref_slice %arg13[%dma_start3A_28, %dma_start3A_29] : memref<512x64xf32, #tpu.memory_space<vmem>> -> memref<128x64xf32, #tpu.memory_space<vmem>>
    %dma_start3A_31 = arith.constant 0 : i32
    %dma_start3A_32 = tpu.memref_slice %arg10[%dma_start3A_27, %dma_start3A_31] : memref<4x128xi32, #tpu.memory_space<vmem>> -> memref<1x128xi32, #tpu.memory_space<vmem>>
    %dma_start3A_33 = tpu.memref_squeeze %dma_start3A_32 : memref<1x128xi32, #tpu.memory_space<vmem>> -> memref<128xi32, #tpu.memory_space<vmem>>
    %dma_start3A_34 = arith.constant 0 : i32
    %dma_start3A_35 = arith.constant 0 : i32
    %dma_start3A_36 = tpu.memref_slice %arg6[%dma_start3A_34, %dma_start3A_35] : memref<1000000x64xf32, #tpu.memory_space<hbm>> -> memref<1000000x64xf32, #tpu.memory_space<hbm>>
    tpu.enqueue_indirect_dma source(%dma_start3A_36 : memref<1000000x64xf32, #tpu.memory_space<hbm>>) target(%dma_start3A_30 : memref<128x64xf32, #tpu.memory_space<vmem>>) offsets(%dma_start3A_33 : memref<128xi32, #tpu.memory_space<vmem>>) semaphore(%arg15 : memref<!tpu.dma_semaphore, #tpu.memory_space<semaphore_mem>>)
    %run_scoped3A_37 = arith.constant 1 : i32
    %run_scoped3A_38 = arith.constant 1 : i32
    "tpu.region"() ({
      %run_scoped3A_269 = tpu.sem_alloc : memref<!tpu.dma_semaphore, #tpu.memory_space<semaphore_mem>>
      %dma_start3A_270 = arith.constant 0 : i32
      %dma_start3A_271 = tpu.memref_slice %arg8[%run_scoped3A_38, %dma_start3A_270] : memref<4x128xi32, #tpu.memory_space<vmem>> -> memref<1x128xi32, #tpu.memory_space<vmem>>
      %dma_start3A_272 = tpu.memref_squeeze %dma_start3A_271 : memref<1x128xi32, #tpu.memory_space<vmem>> -> memref<128xi32, #tpu.memory_space<vmem>>
      %dma_start3A_273 = arith.constant 0 : i32
      %dma_start3A_274 = tpu.memref_slice %arg2[%add3A, %run_scoped3A_37, %dma_start3A_273] : memref<32x4x128xi32, #tpu.memory_space<hbm>> -> memref<1x1x128xi32, #tpu.memory_space<hbm>>
      %dma_start3A_275 = tpu.memref_squeeze %dma_start3A_274 : memref<1x1x128xi32, #tpu.memory_space<hbm>> -> memref<128xi32, #tpu.memory_space<hbm>>
      %dma_start3A_276 = arith.constant 0 : i32
      %dma_start3A_277 = tpu.memref_slice %arg8[%run_scoped3A_38, %dma_start3A_276] : memref<4x128xi32, #tpu.memory_space<vmem>> -> memref<1x128xi32, #tpu.memory_space<vmem>>
      %dma_start3A_278 = tpu.memref_squeeze %dma_start3A_277 : memref<1x128xi32, #tpu.memory_space<vmem>> -> memref<128xi32, #tpu.memory_space<vmem>>
      %dma_start3A_279 = arith.constant 0 : i32
      %dma_start3A_280 = tpu.memref_slice %arg2[%add3A, %run_scoped3A_37, %dma_start3A_279] : memref<32x4x128xi32, #tpu.memory_space<hbm>> -> memref<1x1x128xi32, #tpu.memory_space<hbm>>
      %dma_start3A_281 = tpu.memref_squeeze %dma_start3A_280 : memref<1x1x128xi32, #tpu.memory_space<hbm>> -> memref<128xi32, #tpu.memory_space<hbm>>
      tpu.enqueue_dma source(%dma_start3A_281 : memref<128xi32, #tpu.memory_space<hbm>>) target(%dma_start3A_278 : memref<128xi32, #tpu.memory_space<vmem>>) target_semaphore(%run_scoped3A_269 : memref<!tpu.dma_semaphore, #tpu.memory_space<semaphore_mem>>)
      %dma_wait3A_282 = arith.constant 0 : i32
      %dma_wait3A_283 = tpu.memref_slice %arg8[%run_scoped3A_38, %dma_wait3A_282] : memref<4x128xi32, #tpu.memory_space<vmem>> -> memref<1x128xi32, #tpu.memory_space<vmem>>
      %dma_wait3A_284 = tpu.memref_squeeze %dma_wait3A_283 : memref<1x128xi32, #tpu.memory_space<vmem>> -> memref<128xi32, #tpu.memory_space<vmem>>
      %dma_wait3A_285 = arith.constant 0 : i32
      %dma_wait3A_286 = tpu.memref_slice %arg2[%add3A, %run_scoped3A_37, %dma_wait3A_285] : memref<32x4x128xi32, #tpu.memory_space<hbm>> -> memref<1x1x128xi32, #tpu.memory_space<hbm>>
      %dma_wait3A_287 = tpu.memref_squeeze %dma_wait3A_286 : memref<1x1x128xi32, #tpu.memory_space<hbm>> -> memref<128xi32, #tpu.memory_space<hbm>>
      %dma_wait3A_288 = arith.constant 0 : i32
      %dma_wait3A_289 = tpu.memref_slice %arg8[%run_scoped3A_38, %dma_wait3A_288] : memref<4x128xi32, #tpu.memory_space<vmem>> -> memref<1x128xi32, #tpu.memory_space<vmem>>
      %dma_wait3A_290 = tpu.memref_squeeze %dma_wait3A_289 : memref<1x128xi32, #tpu.memory_space<vmem>> -> memref<128xi32, #tpu.memory_space<vmem>>
      %dma_wait3A_291 = arith.constant 0 : i32
      %dma_wait3A_292 = tpu.memref_slice %arg2[%add3A, %run_scoped3A_37, %dma_wait3A_291] : memref<32x4x128xi32, #tpu.memory_space<hbm>> -> memref<1x1x128xi32, #tpu.memory_space<hbm>>
      %dma_wait3A_293 = tpu.memref_squeeze %dma_wait3A_292 : memref<1x1x128xi32, #tpu.memory_space<hbm>> -> memref<128xi32, #tpu.memory_space<hbm>>
      tpu.wait_dma2 semaphore(%run_scoped3A_269 : memref<!tpu.dma_semaphore, #tpu.memory_space<semaphore_mem>>) src(%dma_wait3A_293 : memref<128xi32, #tpu.memory_space<hbm>>) dst(%dma_wait3A_290 : memref<128xi32, #tpu.memory_space<vmem>>)
      tpu.yield
    }) : () -> ()
    %run_scoped3A_39 = arith.constant 1 : i32
    %run_scoped3A_40 = arith.constant 1 : i32
    "tpu.region"() ({
      %run_scoped3A_269 = tpu.sem_alloc : memref<!tpu.dma_semaphore, #tpu.memory_space<semaphore_mem>>
      %dma_start3A_270 = arith.constant 0 : i32
      %dma_start3A_271 = tpu.memref_slice %arg9[%run_scoped3A_40, %dma_start3A_270] : memref<4x128xi32, #tpu.memory_space<vmem>> -> memref<1x128xi32, #tpu.memory_space<vmem>>
      %dma_start3A_272 = tpu.memref_squeeze %dma_start3A_271 : memref<1x128xi32, #tpu.memory_space<vmem>> -> memref<128xi32, #tpu.memory_space<vmem>>
      %dma_start3A_273 = arith.constant 0 : i32
      %dma_start3A_274 = tpu.memref_slice %arg3[%add3A, %run_scoped3A_39, %dma_start3A_273] : memref<32x4x128xi32, #tpu.memory_space<hbm>> -> memref<1x1x128xi32, #tpu.memory_space<hbm>>
      %dma_start3A_275 = tpu.memref_squeeze %dma_start3A_274 : memref<1x1x128xi32, #tpu.memory_space<hbm>> -> memref<128xi32, #tpu.memory_space<hbm>>
      %dma_start3A_276 = arith.constant 0 : i32
      %dma_start3A_277 = tpu.memref_slice %arg9[%run_scoped3A_40, %dma_start3A_276] : memref<4x128xi32, #tpu.memory_space<vmem>> -> memref<1x128xi32, #tpu.memory_space<vmem>>
      %dma_start3A_278 = tpu.memref_squeeze %dma_start3A_277 : memref<1x128xi32, #tpu.memory_space<vmem>> -> memref<128xi32, #tpu.memory_space<vmem>>
      %dma_start3A_279 = arith.constant 0 : i32
      %dma_start3A_280 = tpu.memref_slice %arg3[%add3A, %run_scoped3A_39, %dma_start3A_279] : memref<32x4x128xi32, #tpu.memory_space<hbm>> -> memref<1x1x128xi32, #tpu.memory_space<hbm>>
      %dma_start3A_281 = tpu.memref_squeeze %dma_start3A_280 : memref<1x1x128xi32, #tpu.memory_space<hbm>> -> memref<128xi32, #tpu.memory_space<hbm>>
      tpu.enqueue_dma source(%dma_start3A_281 : memref<128xi32, #tpu.memory_space<hbm>>) target(%dma_start3A_278 : memref<128xi32, #tpu.memory_space<vmem>>) target_semaphore(%run_scoped3A_269 : memref<!tpu.dma_semaphore, #tpu.memory_space<semaphore_mem>>)
      %dma_wait3A_282 = arith.constant 0 : i32
      %dma_wait3A_283 = tpu.memref_slice %arg9[%run_scoped3A_40, %dma_wait3A_282] : memref<4x128xi32, #tpu.memory_space<vmem>> -> memref<1x128xi32, #tpu.memory_space<vmem>>
      %dma_wait3A_284 = tpu.memref_squeeze %dma_wait3A_283 : memref<1x128xi32, #tpu.memory_space<vmem>> -> memref<128xi32, #tpu.memory_space<vmem>>
      %dma_wait3A_285 = arith.constant 0 : i32
      %dma_wait3A_286 = tpu.memref_slice %arg3[%add3A, %run_scoped3A_39, %dma_wait3A_285] : memref<32x4x128xi32, #tpu.memory_space<hbm>> -> memref<1x1x128xi32, #tpu.memory_space<hbm>>
      %dma_wait3A_287 = tpu.memref_squeeze %dma_wait3A_286 : memref<1x1x128xi32, #tpu.memory_space<hbm>> -> memref<128xi32, #tpu.memory_space<hbm>>
      %dma_wait3A_288 = arith.constant 0 : i32
      %dma_wait3A_289 = tpu.memref_slice %arg9[%run_scoped3A_40, %dma_wait3A_288] : memref<4x128xi32, #tpu.memory_space<vmem>> -> memref<1x128xi32, #tpu.memory_space<vmem>>
      %dma_wait3A_290 = tpu.memref_squeeze %dma_wait3A_289 : memref<1x128xi32, #tpu.memory_space<vmem>> -> memref<128xi32, #tpu.memory_space<vmem>>
      %dma_wait3A_291 = arith.constant 0 : i32
      %dma_wait3A_292 = tpu.memref_slice %arg3[%add3A, %run_scoped3A_39, %dma_wait3A_291] : memref<32x4x128xi32, #tpu.memory_space<hbm>> -> memref<1x1x128xi32, #tpu.memory_space<hbm>>
      %dma_wait3A_293 = tpu.memref_squeeze %dma_wait3A_292 : memref<1x1x128xi32, #tpu.memory_space<hbm>> -> memref<128xi32, #tpu.memory_space<hbm>>
      tpu.wait_dma2 semaphore(%run_scoped3A_269 : memref<!tpu.dma_semaphore, #tpu.memory_space<semaphore_mem>>) src(%dma_wait3A_293 : memref<128xi32, #tpu.memory_space<hbm>>) dst(%dma_wait3A_290 : memref<128xi32, #tpu.memory_space<vmem>>)
      tpu.yield
    }) : () -> ()
    %run_scoped3A_41 = arith.constant 1 : i32
    %run_scoped3A_42 = arith.constant 1 : i32
    "tpu.region"() ({
      %run_scoped3A_269 = tpu.sem_alloc : memref<!tpu.dma_semaphore, #tpu.memory_space<semaphore_mem>>
      %dma_start3A_270 = arith.constant 0 : i32
      %dma_start3A_271 = tpu.memref_slice %arg10[%run_scoped3A_42, %dma_start3A_270] : memref<4x128xi32, #tpu.memory_space<vmem>> -> memref<1x128xi32, #tpu.memory_space<vmem>>
      %dma_start3A_272 = tpu.memref_squeeze %dma_start3A_271 : memref<1x128xi32, #tpu.memory_space<vmem>> -> memref<128xi32, #tpu.memory_space<vmem>>
      %dma_start3A_273 = arith.constant 0 : i32
      %dma_start3A_274 = tpu.memref_slice %arg4[%add3A, %run_scoped3A_41, %dma_start3A_273] : memref<32x4x128xi32, #tpu.memory_space<hbm>> -> memref<1x1x128xi32, #tpu.memory_space<hbm>>
      %dma_start3A_275 = tpu.memref_squeeze %dma_start3A_274 : memref<1x1x128xi32, #tpu.memory_space<hbm>> -> memref<128xi32, #tpu.memory_space<hbm>>
      %dma_start3A_276 = arith.constant 0 : i32
      %dma_start3A_277 = tpu.memref_slice %arg10[%run_scoped3A_42, %dma_start3A_276] : memref<4x128xi32, #tpu.memory_space<vmem>> -> memref<1x128xi32, #tpu.memory_space<vmem>>
      %dma_start3A_278 = tpu.memref_squeeze %dma_start3A_277 : memref<1x128xi32, #tpu.memory_space<vmem>> -> memref<128xi32, #tpu.memory_space<vmem>>
      %dma_start3A_279 = arith.constant 0 : i32
      %dma_start3A_280 = tpu.memref_slice %arg4[%add3A, %run_scoped3A_41, %dma_start3A_279] : memref<32x4x128xi32, #tpu.memory_space<hbm>> -> memref<1x1x128xi32, #tpu.memory_space<hbm>>
      %dma_start3A_281 = tpu.memref_squeeze %dma_start3A_280 : memref<1x1x128xi32, #tpu.memory_space<hbm>> -> memref<128xi32, #tpu.memory_space<hbm>>
      tpu.enqueue_dma source(%dma_start3A_281 : memref<128xi32, #tpu.memory_space<hbm>>) target(%dma_start3A_278 : memref<128xi32, #tpu.memory_space<vmem>>) target_semaphore(%run_scoped3A_269 : memref<!tpu.dma_semaphore, #tpu.memory_space<semaphore_mem>>)
      %dma_wait3A_282 = arith.constant 0 : i32
      %dma_wait3A_283 = tpu.memref_slice %arg10[%run_scoped3A_42, %dma_wait3A_282] : memref<4x128xi32, #tpu.memory_space<vmem>> -> memref<1x128xi32, #tpu.memory_space<vmem>>
      %dma_wait3A_284 = tpu.memref_squeeze %dma_wait3A_283 : memref<1x128xi32, #tpu.memory_space<vmem>> -> memref<128xi32, #tpu.memory_space<vmem>>
      %dma_wait3A_285 = arith.constant 0 : i32
      %dma_wait3A_286 = tpu.memref_slice %arg4[%add3A, %run_scoped3A_41, %dma_wait3A_285] : memref<32x4x128xi32, #tpu.memory_space<hbm>> -> memref<1x1x128xi32, #tpu.memory_space<hbm>>
      %dma_wait3A_287 = tpu.memref_squeeze %dma_wait3A_286 : memref<1x1x128xi32, #tpu.memory_space<hbm>> -> memref<128xi32, #tpu.memory_space<hbm>>
      %dma_wait3A_288 = arith.constant 0 : i32
      %dma_wait3A_289 = tpu.memref_slice %arg10[%run_scoped3A_42, %dma_wait3A_288] : memref<4x128xi32, #tpu.memory_space<vmem>> -> memref<1x128xi32, #tpu.memory_space<vmem>>
      %dma_wait3A_290 = tpu.memref_squeeze %dma_wait3A_289 : memref<1x128xi32, #tpu.memory_space<vmem>> -> memref<128xi32, #tpu.memory_space<vmem>>
      %dma_wait3A_291 = arith.constant 0 : i32
      %dma_wait3A_292 = tpu.memref_slice %arg4[%add3A, %run_scoped3A_41, %dma_wait3A_291] : memref<32x4x128xi32, #tpu.memory_space<hbm>> -> memref<1x1x128xi32, #tpu.memory_space<hbm>>
      %dma_wait3A_293 = tpu.memref_squeeze %dma_wait3A_292 : memref<1x1x128xi32, #tpu.memory_space<hbm>> -> memref<128xi32, #tpu.memory_space<hbm>>
      tpu.wait_dma2 semaphore(%run_scoped3A_269 : memref<!tpu.dma_semaphore, #tpu.memory_space<semaphore_mem>>) src(%dma_wait3A_293 : memref<128xi32, #tpu.memory_space<hbm>>) dst(%dma_wait3A_290 : memref<128xi32, #tpu.memory_space<vmem>>)
      tpu.yield
    }) : () -> ()
    %dma_start3A_43 = arith.constant 1 : i32
    %dma_start3A_44 = arith.constant 128 : i32
    %dma_start3A_45 = arith.constant 0 : i32
    %dma_start3A_46 = tpu.memref_slice %arg11[%dma_start3A_44, %dma_start3A_45] : memref<512x64xf32, #tpu.memory_space<vmem>> -> memref<128x64xf32, #tpu.memory_space<vmem>>
    %dma_start3A_47 = arith.constant 0 : i32
    %dma_start3A_48 = tpu.memref_slice %arg8[%dma_start3A_43, %dma_start3A_47] : memref<4x128xi32, #tpu.memory_space<vmem>> -> memref<1x128xi32, #tpu.memory_space<vmem>>
    %dma_start3A_49 = tpu.memref_squeeze %dma_start3A_48 : memref<1x128xi32, #tpu.memory_space<vmem>> -> memref<128xi32, #tpu.memory_space<vmem>>
    %dma_start3A_50 = arith.constant 0 : i32
    %dma_start3A_51 = arith.constant 0 : i32
    %dma_start3A_52 = tpu.memref_slice %arg5[%dma_start3A_50, %dma_start3A_51] : memref<1000000x64xf32, #tpu.memory_space<hbm>> -> memref<1000000x64xf32, #tpu.memory_space<hbm>>
    tpu.enqueue_indirect_dma source(%dma_start3A_52 : memref<1000000x64xf32, #tpu.memory_space<hbm>>) target(%dma_start3A_46 : memref<128x64xf32, #tpu.memory_space<vmem>>) offsets(%dma_start3A_49 : memref<128xi32, #tpu.memory_space<vmem>>) semaphore(%arg15 : memref<!tpu.dma_semaphore, #tpu.memory_space<semaphore_mem>>)
    %dma_start3A_53 = arith.constant 1 : i32
    %dma_start3A_54 = arith.constant 128 : i32
    %dma_start3A_55 = arith.constant 0 : i32
    %dma_start3A_56 = tpu.memref_slice %arg12[%dma_start3A_54, %dma_start3A_55] : memref<512x64xf32, #tpu.memory_space<vmem>> -> memref<128x64xf32, #tpu.memory_space<vmem>>
    %dma_start3A_57 = arith.constant 0 : i32
    %dma_start3A_58 = tpu.memref_slice %arg9[%dma_start3A_53, %dma_start3A_57] : memref<4x128xi32, #tpu.memory_space<vmem>> -> memref<1x128xi32, #tpu.memory_space<vmem>>
    %dma_start3A_59 = tpu.memref_squeeze %dma_start3A_58 : memref<1x128xi32, #tpu.memory_space<vmem>> -> memref<128xi32, #tpu.memory_space<vmem>>
    %dma_start3A_60 = arith.constant 0 : i32
    %dma_start3A_61 = arith.constant 0 : i32
    %dma_start3A_62 = tpu.memref_slice %arg6[%dma_start3A_60, %dma_start3A_61] : memref<1000000x64xf32, #tpu.memory_space<hbm>> -> memref<1000000x64xf32, #tpu.memory_space<hbm>>
    tpu.enqueue_indirect_dma source(%dma_start3A_62 : memref<1000000x64xf32, #tpu.memory_space<hbm>>) target(%dma_start3A_56 : memref<128x64xf32, #tpu.memory_space<vmem>>) offsets(%dma_start3A_59 : memref<128xi32, #tpu.memory_space<vmem>>) semaphore(%arg15 : memref<!tpu.dma_semaphore, #tpu.memory_space<semaphore_mem>>)
    %dma_start3A_63 = arith.constant 1 : i32
    %dma_start3A_64 = arith.constant 128 : i32
    %dma_start3A_65 = arith.constant 0 : i32
    %dma_start3A_66 = tpu.memref_slice %arg13[%dma_start3A_64, %dma_start3A_65] : memref<512x64xf32, #tpu.memory_space<vmem>> -> memref<128x64xf32, #tpu.memory_space<vmem>>
    %dma_start3A_67 = arith.constant 0 : i32
    %dma_start3A_68 = tpu.memref_slice %arg10[%dma_start3A_63, %dma_start3A_67] : memref<4x128xi32, #tpu.memory_space<vmem>> -> memref<1x128xi32, #tpu.memory_space<vmem>>
    %dma_start3A_69 = tpu.memref_squeeze %dma_start3A_68 : memref<1x128xi32, #tpu.memory_space<vmem>> -> memref<128xi32, #tpu.memory_space<vmem>>
    %dma_start3A_70 = arith.constant 0 : i32
    %dma_start3A_71 = arith.constant 0 : i32
    %dma_start3A_72 = tpu.memref_slice %arg6[%dma_start3A_70, %dma_start3A_71] : memref<1000000x64xf32, #tpu.memory_space<hbm>> -> memref<1000000x64xf32, #tpu.memory_space<hbm>>
    tpu.enqueue_indirect_dma source(%dma_start3A_72 : memref<1000000x64xf32, #tpu.memory_space<hbm>>) target(%dma_start3A_66 : memref<128x64xf32, #tpu.memory_space<vmem>>) offsets(%dma_start3A_69 : memref<128xi32, #tpu.memory_space<vmem>>) semaphore(%arg15 : memref<!tpu.dma_semaphore, #tpu.memory_space<semaphore_mem>>)
    %run_scoped3A_73 = arith.constant 2 : i32
    %run_scoped3A_74 = arith.constant 2 : i32
    "tpu.region"() ({
      %run_scoped3A_269 = tpu.sem_alloc : memref<!tpu.dma_semaphore, #tpu.memory_space<semaphore_mem>>
      %dma_start3A_270 = arith.constant 0 : i32
      %dma_start3A_271 = tpu.memref_slice %arg8[%run_scoped3A_74, %dma_start3A_270] : memref<4x128xi32, #tpu.memory_space<vmem>> -> memref<1x128xi32, #tpu.memory_space<vmem>>
      %dma_start3A_272 = tpu.memref_squeeze %dma_start3A_271 : memref<1x128xi32, #tpu.memory_space<vmem>> -> memref<128xi32, #tpu.memory_space<vmem>>
      %dma_start3A_273 = arith.constant 0 : i32
      %dma_start3A_274 = tpu.memref_slice %arg2[%add3A, %run_scoped3A_73, %dma_start3A_273] : memref<32x4x128xi32, #tpu.memory_space<hbm>> -> memref<1x1x128xi32, #tpu.memory_space<hbm>>
      %dma_start3A_275 = tpu.memref_squeeze %dma_start3A_274 : memref<1x1x128xi32, #tpu.memory_space<hbm>> -> memref<128xi32, #tpu.memory_space<hbm>>
      %dma_start3A_276 = arith.constant 0 : i32
      %dma_start3A_277 = tpu.memref_slice %arg8[%run_scoped3A_74, %dma_start3A_276] : memref<4x128xi32, #tpu.memory_space<vmem>> -> memref<1x128xi32, #tpu.memory_space<vmem>>
      %dma_start3A_278 = tpu.memref_squeeze %dma_start3A_277 : memref<1x128xi32, #tpu.memory_space<vmem>> -> memref<128xi32, #tpu.memory_space<vmem>>
      %dma_start3A_279 = arith.constant 0 : i32
      %dma_start3A_280 = tpu.memref_slice %arg2[%add3A, %run_scoped3A_73, %dma_start3A_279] : memref<32x4x128xi32, #tpu.memory_space<hbm>> -> memref<1x1x128xi32, #tpu.memory_space<hbm>>
      %dma_start3A_281 = tpu.memref_squeeze %dma_start3A_280 : memref<1x1x128xi32, #tpu.memory_space<hbm>> -> memref<128xi32, #tpu.memory_space<hbm>>
      tpu.enqueue_dma source(%dma_start3A_281 : memref<128xi32, #tpu.memory_space<hbm>>) target(%dma_start3A_278 : memref<128xi32, #tpu.memory_space<vmem>>) target_semaphore(%run_scoped3A_269 : memref<!tpu.dma_semaphore, #tpu.memory_space<semaphore_mem>>)
      %dma_wait3A_282 = arith.constant 0 : i32
      %dma_wait3A_283 = tpu.memref_slice %arg8[%run_scoped3A_74, %dma_wait3A_282] : memref<4x128xi32, #tpu.memory_space<vmem>> -> memref<1x128xi32, #tpu.memory_space<vmem>>
      %dma_wait3A_284 = tpu.memref_squeeze %dma_wait3A_283 : memref<1x128xi32, #tpu.memory_space<vmem>> -> memref<128xi32, #tpu.memory_space<vmem>>
      %dma_wait3A_285 = arith.constant 0 : i32
      %dma_wait3A_286 = tpu.memref_slice %arg2[%add3A, %run_scoped3A_73, %dma_wait3A_285] : memref<32x4x128xi32, #tpu.memory_space<hbm>> -> memref<1x1x128xi32, #tpu.memory_space<hbm>>
      %dma_wait3A_287 = tpu.memref_squeeze %dma_wait3A_286 : memref<1x1x128xi32, #tpu.memory_space<hbm>> -> memref<128xi32, #tpu.memory_space<hbm>>
      %dma_wait3A_288 = arith.constant 0 : i32
      %dma_wait3A_289 = tpu.memref_slice %arg8[%run_scoped3A_74, %dma_wait3A_288] : memref<4x128xi32, #tpu.memory_space<vmem>> -> memref<1x128xi32, #tpu.memory_space<vmem>>
      %dma_wait3A_290 = tpu.memref_squeeze %dma_wait3A_289 : memref<1x128xi32, #tpu.memory_space<vmem>> -> memref<128xi32, #tpu.memory_space<vmem>>
      %dma_wait3A_291 = arith.constant 0 : i32
      %dma_wait3A_292 = tpu.memref_slice %arg2[%add3A, %run_scoped3A_73, %dma_wait3A_291] : memref<32x4x128xi32, #tpu.memory_space<hbm>> -> memref<1x1x128xi32, #tpu.memory_space<hbm>>
      %dma_wait3A_293 = tpu.memref_squeeze %dma_wait3A_292 : memref<1x1x128xi32, #tpu.memory_space<hbm>> -> memref<128xi32, #tpu.memory_space<hbm>>
      tpu.wait_dma2 semaphore(%run_scoped3A_269 : memref<!tpu.dma_semaphore, #tpu.memory_space<semaphore_mem>>) src(%dma_wait3A_293 : memref<128xi32, #tpu.memory_space<hbm>>) dst(%dma_wait3A_290 : memref<128xi32, #tpu.memory_space<vmem>>)
      tpu.yield
    }) : () -> ()
    %run_scoped3A_75 = arith.constant 2 : i32
    %run_scoped3A_76 = arith.constant 2 : i32
    "tpu.region"() ({
      %run_scoped3A_269 = tpu.sem_alloc : memref<!tpu.dma_semaphore, #tpu.memory_space<semaphore_mem>>
      %dma_start3A_270 = arith.constant 0 : i32
      %dma_start3A_271 = tpu.memref_slice %arg9[%run_scoped3A_76, %dma_start3A_270] : memref<4x128xi32, #tpu.memory_space<vmem>> -> memref<1x128xi32, #tpu.memory_space<vmem>>
      %dma_start3A_272 = tpu.memref_squeeze %dma_start3A_271 : memref<1x128xi32, #tpu.memory_space<vmem>> -> memref<128xi32, #tpu.memory_space<vmem>>
      %dma_start3A_273 = arith.constant 0 : i32
      %dma_start3A_274 = tpu.memref_slice %arg3[%add3A, %run_scoped3A_75, %dma_start3A_273] : memref<32x4x128xi32, #tpu.memory_space<hbm>> -> memref<1x1x128xi32, #tpu.memory_space<hbm>>
      %dma_start3A_275 = tpu.memref_squeeze %dma_start3A_274 : memref<1x1x128xi32, #tpu.memory_space<hbm>> -> memref<128xi32, #tpu.memory_space<hbm>>
      %dma_start3A_276 = arith.constant 0 : i32
      %dma_start3A_277 = tpu.memref_slice %arg9[%run_scoped3A_76, %dma_start3A_276] : memref<4x128xi32, #tpu.memory_space<vmem>> -> memref<1x128xi32, #tpu.memory_space<vmem>>
      %dma_start3A_278 = tpu.memref_squeeze %dma_start3A_277 : memref<1x128xi32, #tpu.memory_space<vmem>> -> memref<128xi32, #tpu.memory_space<vmem>>
      %dma_start3A_279 = arith.constant 0 : i32
      %dma_start3A_280 = tpu.memref_slice %arg3[%add3A, %run_scoped3A_75, %dma_start3A_279] : memref<32x4x128xi32, #tpu.memory_space<hbm>> -> memref<1x1x128xi32, #tpu.memory_space<hbm>>
      %dma_start3A_281 = tpu.memref_squeeze %dma_start3A_280 : memref<1x1x128xi32, #tpu.memory_space<hbm>> -> memref<128xi32, #tpu.memory_space<hbm>>
      tpu.enqueue_dma source(%dma_start3A_281 : memref<128xi32, #tpu.memory_space<hbm>>) target(%dma_start3A_278 : memref<128xi32, #tpu.memory_space<vmem>>) target_semaphore(%run_scoped3A_269 : memref<!tpu.dma_semaphore, #tpu.memory_space<semaphore_mem>>)
      %dma_wait3A_282 = arith.constant 0 : i32
      %dma_wait3A_283 = tpu.memref_slice %arg9[%run_scoped3A_76, %dma_wait3A_282] : memref<4x128xi32, #tpu.memory_space<vmem>> -> memref<1x128xi32, #tpu.memory_space<vmem>>
      %dma_wait3A_284 = tpu.memref_squeeze %dma_wait3A_283 : memref<1x128xi32, #tpu.memory_space<vmem>> -> memref<128xi32, #tpu.memory_space<vmem>>
      %dma_wait3A_285 = arith.constant 0 : i32
      %dma_wait3A_286 = tpu.memref_slice %arg3[%add3A, %run_scoped3A_75, %dma_wait3A_285] : memref<32x4x128xi32, #tpu.memory_space<hbm>> -> memref<1x1x128xi32, #tpu.memory_space<hbm>>
      %dma_wait3A_287 = tpu.memref_squeeze %dma_wait3A_286 : memref<1x1x128xi32, #tpu.memory_space<hbm>> -> memref<128xi32, #tpu.memory_space<hbm>>
      %dma_wait3A_288 = arith.constant 0 : i32
      %dma_wait3A_289 = tpu.memref_slice %arg9[%run_scoped3A_76, %dma_wait3A_288] : memref<4x128xi32, #tpu.memory_space<vmem>> -> memref<1x128xi32, #tpu.memory_space<vmem>>
      %dma_wait3A_290 = tpu.memref_squeeze %dma_wait3A_289 : memref<1x128xi32, #tpu.memory_space<vmem>> -> memref<128xi32, #tpu.memory_space<vmem>>
      %dma_wait3A_291 = arith.constant 0 : i32
      %dma_wait3A_292 = tpu.memref_slice %arg3[%add3A, %run_scoped3A_75, %dma_wait3A_291] : memref<32x4x128xi32, #tpu.memory_space<hbm>> -> memref<1x1x128xi32, #tpu.memory_space<hbm>>
      %dma_wait3A_293 = tpu.memref_squeeze %dma_wait3A_292 : memref<1x1x128xi32, #tpu.memory_space<hbm>> -> memref<128xi32, #tpu.memory_space<hbm>>
      tpu.wait_dma2 semaphore(%run_scoped3A_269 : memref<!tpu.dma_semaphore, #tpu.memory_space<semaphore_mem>>) src(%dma_wait3A_293 : memref<128xi32, #tpu.memory_space<hbm>>) dst(%dma_wait3A_290 : memref<128xi32, #tpu.memory_space<vmem>>)
      tpu.yield
    }) : () -> ()
    %run_scoped3A_77 = arith.constant 2 : i32
    %run_scoped3A_78 = arith.constant 2 : i32
    "tpu.region"() ({
      %run_scoped3A_269 = tpu.sem_alloc : memref<!tpu.dma_semaphore, #tpu.memory_space<semaphore_mem>>
      %dma_start3A_270 = arith.constant 0 : i32
      %dma_start3A_271 = tpu.memref_slice %arg10[%run_scoped3A_78, %dma_start3A_270] : memref<4x128xi32, #tpu.memory_space<vmem>> -> memref<1x128xi32, #tpu.memory_space<vmem>>
      %dma_start3A_272 = tpu.memref_squeeze %dma_start3A_271 : memref<1x128xi32, #tpu.memory_space<vmem>> -> memref<128xi32, #tpu.memory_space<vmem>>
      %dma_start3A_273 = arith.constant 0 : i32
      %dma_start3A_274 = tpu.memref_slice %arg4[%add3A, %run_scoped3A_77, %dma_start3A_273] : memref<32x4x128xi32, #tpu.memory_space<hbm>> -> memref<1x1x128xi32, #tpu.memory_space<hbm>>
      %dma_start3A_275 = tpu.memref_squeeze %dma_start3A_274 : memref<1x1x128xi32, #tpu.memory_space<hbm>> -> memref<128xi32, #tpu.memory_space<hbm>>
      %dma_start3A_276 = arith.constant 0 : i32
      %dma_start3A_277 = tpu.memref_slice %arg10[%run_scoped3A_78, %dma_start3A_276] : memref<4x128xi32, #tpu.memory_space<vmem>> -> memref<1x128xi32, #tpu.memory_space<vmem>>
      %dma_start3A_278 = tpu.memref_squeeze %dma_start3A_277 : memref<1x128xi32, #tpu.memory_space<vmem>> -> memref<128xi32, #tpu.memory_space<vmem>>
      %dma_start3A_279 = arith.constant 0 : i32
      %dma_start3A_280 = tpu.memref_slice %arg4[%add3A, %run_scoped3A_77, %dma_start3A_279] : memref<32x4x128xi32, #tpu.memory_space<hbm>> -> memref<1x1x128xi32, #tpu.memory_space<hbm>>
      %dma_start3A_281 = tpu.memref_squeeze %dma_start3A_280 : memref<1x1x128xi32, #tpu.memory_space<hbm>> -> memref<128xi32, #tpu.memory_space<hbm>>
      tpu.enqueue_dma source(%dma_start3A_281 : memref<128xi32, #tpu.memory_space<hbm>>) target(%dma_start3A_278 : memref<128xi32, #tpu.memory_space<vmem>>) target_semaphore(%run_scoped3A_269 : memref<!tpu.dma_semaphore, #tpu.memory_space<semaphore_mem>>)
      %dma_wait3A_282 = arith.constant 0 : i32
      %dma_wait3A_283 = tpu.memref_slice %arg10[%run_scoped3A_78, %dma_wait3A_282] : memref<4x128xi32, #tpu.memory_space<vmem>> -> memref<1x128xi32, #tpu.memory_space<vmem>>
      %dma_wait3A_284 = tpu.memref_squeeze %dma_wait3A_283 : memref<1x128xi32, #tpu.memory_space<vmem>> -> memref<128xi32, #tpu.memory_space<vmem>>
      %dma_wait3A_285 = arith.constant 0 : i32
      %dma_wait3A_286 = tpu.memref_slice %arg4[%add3A, %run_scoped3A_77, %dma_wait3A_285] : memref<32x4x128xi32, #tpu.memory_space<hbm>> -> memref<1x1x128xi32, #tpu.memory_space<hbm>>
      %dma_wait3A_287 = tpu.memref_squeeze %dma_wait3A_286 : memref<1x1x128xi32, #tpu.memory_space<hbm>> -> memref<128xi32, #tpu.memory_space<hbm>>
      %dma_wait3A_288 = arith.constant 0 : i32
      %dma_wait3A_289 = tpu.memref_slice %arg10[%run_scoped3A_78, %dma_wait3A_288] : memref<4x128xi32, #tpu.memory_space<vmem>> -> memref<1x128xi32, #tpu.memory_space<vmem>>
      %dma_wait3A_290 = tpu.memref_squeeze %dma_wait3A_289 : memref<1x128xi32, #tpu.memory_space<vmem>> -> memref<128xi32, #tpu.memory_space<vmem>>
      %dma_wait3A_291 = arith.constant 0 : i32
      %dma_wait3A_292 = tpu.memref_slice %arg4[%add3A, %run_scoped3A_77, %dma_wait3A_291] : memref<32x4x128xi32, #tpu.memory_space<hbm>> -> memref<1x1x128xi32, #tpu.memory_space<hbm>>
      %dma_wait3A_293 = tpu.memref_squeeze %dma_wait3A_292 : memref<1x1x128xi32, #tpu.memory_space<hbm>> -> memref<128xi32, #tpu.memory_space<hbm>>
      tpu.wait_dma2 semaphore(%run_scoped3A_269 : memref<!tpu.dma_semaphore, #tpu.memory_space<semaphore_mem>>) src(%dma_wait3A_293 : memref<128xi32, #tpu.memory_space<hbm>>) dst(%dma_wait3A_290 : memref<128xi32, #tpu.memory_space<vmem>>)
      tpu.yield
    }) : () -> ()
    %dma_start3A_79 = arith.constant 2 : i32
    %dma_start3A_80 = arith.constant 256 : i32
    %dma_start3A_81 = arith.constant 0 : i32
    %dma_start3A_82 = tpu.memref_slice %arg11[%dma_start3A_80, %dma_start3A_81] : memref<512x64xf32, #tpu.memory_space<vmem>> -> memref<128x64xf32, #tpu.memory_space<vmem>>
    %dma_start3A_83 = arith.constant 0 : i32
    %dma_start3A_84 = tpu.memref_slice %arg8[%dma_start3A_79, %dma_start3A_83] : memref<4x128xi32, #tpu.memory_space<vmem>> -> memref<1x128xi32, #tpu.memory_space<vmem>>
    %dma_start3A_85 = tpu.memref_squeeze %dma_start3A_84 : memref<1x128xi32, #tpu.memory_space<vmem>> -> memref<128xi32, #tpu.memory_space<vmem>>
    %dma_start3A_86 = arith.constant 0 : i32
    %dma_start3A_87 = arith.constant 0 : i32
    %dma_start3A_88 = tpu.memref_slice %arg5[%dma_start3A_86, %dma_start3A_87] : memref<1000000x64xf32, #tpu.memory_space<hbm>> -> memref<1000000x64xf32, #tpu.memory_space<hbm>>
    tpu.enqueue_indirect_dma source(%dma_start3A_88 : memref<1000000x64xf32, #tpu.memory_space<hbm>>) target(%dma_start3A_82 : memref<128x64xf32, #tpu.memory_space<vmem>>) offsets(%dma_start3A_85 : memref<128xi32, #tpu.memory_space<vmem>>) semaphore(%arg15 : memref<!tpu.dma_semaphore, #tpu.memory_space<semaphore_mem>>)
    %dma_start3A_89 = arith.constant 2 : i32
    %dma_start3A_90 = arith.constant 256 : i32
    %dma_start3A_91 = arith.constant 0 : i32
    %dma_start3A_92 = tpu.memref_slice %arg12[%dma_start3A_90, %dma_start3A_91] : memref<512x64xf32, #tpu.memory_space<vmem>> -> memref<128x64xf32, #tpu.memory_space<vmem>>
    %dma_start3A_93 = arith.constant 0 : i32
    %dma_start3A_94 = tpu.memref_slice %arg9[%dma_start3A_89, %dma_start3A_93] : memref<4x128xi32, #tpu.memory_space<vmem>> -> memref<1x128xi32, #tpu.memory_space<vmem>>
    %dma_start3A_95 = tpu.memref_squeeze %dma_start3A_94 : memref<1x128xi32, #tpu.memory_space<vmem>> -> memref<128xi32, #tpu.memory_space<vmem>>
    %dma_start3A_96 = arith.constant 0 : i32
    %dma_start3A_97 = arith.constant 0 : i32
    %dma_start3A_98 = tpu.memref_slice %arg6[%dma_start3A_96, %dma_start3A_97] : memref<1000000x64xf32, #tpu.memory_space<hbm>> -> memref<1000000x64xf32, #tpu.memory_space<hbm>>
    tpu.enqueue_indirect_dma source(%dma_start3A_98 : memref<1000000x64xf32, #tpu.memory_space<hbm>>) target(%dma_start3A_92 : memref<128x64xf32, #tpu.memory_space<vmem>>) offsets(%dma_start3A_95 : memref<128xi32, #tpu.memory_space<vmem>>) semaphore(%arg15 : memref<!tpu.dma_semaphore, #tpu.memory_space<semaphore_mem>>)
    %dma_start3A_99 = arith.constant 2 : i32
    %dma_start3A_100 = arith.constant 256 : i32
    %dma_start3A_101 = arith.constant 0 : i32
    %dma_start3A_102 = tpu.memref_slice %arg13[%dma_start3A_100, %dma_start3A_101] : memref<512x64xf32, #tpu.memory_space<vmem>> -> memref<128x64xf32, #tpu.memory_space<vmem>>
    %dma_start3A_103 = arith.constant 0 : i32
    %dma_start3A_104 = tpu.memref_slice %arg10[%dma_start3A_99, %dma_start3A_103] : memref<4x128xi32, #tpu.memory_space<vmem>> -> memref<1x128xi32, #tpu.memory_space<vmem>>
    %dma_start3A_105 = tpu.memref_squeeze %dma_start3A_104 : memref<1x128xi32, #tpu.memory_space<vmem>> -> memref<128xi32, #tpu.memory_space<vmem>>
    %dma_start3A_106 = arith.constant 0 : i32
    %dma_start3A_107 = arith.constant 0 : i32
    %dma_start3A_108 = tpu.memref_slice %arg6[%dma_start3A_106, %dma_start3A_107] : memref<1000000x64xf32, #tpu.memory_space<hbm>> -> memref<1000000x64xf32, #tpu.memory_space<hbm>>
    tpu.enqueue_indirect_dma source(%dma_start3A_108 : memref<1000000x64xf32, #tpu.memory_space<hbm>>) target(%dma_start3A_102 : memref<128x64xf32, #tpu.memory_space<vmem>>) offsets(%dma_start3A_105 : memref<128xi32, #tpu.memory_space<vmem>>) semaphore(%arg15 : memref<!tpu.dma_semaphore, #tpu.memory_space<semaphore_mem>>)
    %run_scoped3A_109 = arith.constant 3 : i32
    %run_scoped3A_110 = arith.constant 3 : i32
    "tpu.region"() ({
      %run_scoped3A_269 = tpu.sem_alloc : memref<!tpu.dma_semaphore, #tpu.memory_space<semaphore_mem>>
      %dma_start3A_270 = arith.constant 0 : i32
      %dma_start3A_271 = tpu.memref_slice %arg8[%run_scoped3A_110, %dma_start3A_270] : memref<4x128xi32, #tpu.memory_space<vmem>> -> memref<1x128xi32, #tpu.memory_space<vmem>>
      %dma_start3A_272 = tpu.memref_squeeze %dma_start3A_271 : memref<1x128xi32, #tpu.memory_space<vmem>> -> memref<128xi32, #tpu.memory_space<vmem>>
      %dma_start3A_273 = arith.constant 0 : i32
      %dma_start3A_274 = tpu.memref_slice %arg2[%add3A, %run_scoped3A_109, %dma_start3A_273] : memref<32x4x128xi32, #tpu.memory_space<hbm>> -> memref<1x1x128xi32, #tpu.memory_space<hbm>>
      %dma_start3A_275 = tpu.memref_squeeze %dma_start3A_274 : memref<1x1x128xi32, #tpu.memory_space<hbm>> -> memref<128xi32, #tpu.memory_space<hbm>>
      %dma_start3A_276 = arith.constant 0 : i32
      %dma_start3A_277 = tpu.memref_slice %arg8[%run_scoped3A_110, %dma_start3A_276] : memref<4x128xi32, #tpu.memory_space<vmem>> -> memref<1x128xi32, #tpu.memory_space<vmem>>
      %dma_start3A_278 = tpu.memref_squeeze %dma_start3A_277 : memref<1x128xi32, #tpu.memory_space<vmem>> -> memref<128xi32, #tpu.memory_space<vmem>>
      %dma_start3A_279 = arith.constant 0 : i32
      %dma_start3A_280 = tpu.memref_slice %arg2[%add3A, %run_scoped3A_109, %dma_start3A_279] : memref<32x4x128xi32, #tpu.memory_space<hbm>> -> memref<1x1x128xi32, #tpu.memory_space<hbm>>
      %dma_start3A_281 = tpu.memref_squeeze %dma_start3A_280 : memref<1x1x128xi32, #tpu.memory_space<hbm>> -> memref<128xi32, #tpu.memory_space<hbm>>
      tpu.enqueue_dma source(%dma_start3A_281 : memref<128xi32, #tpu.memory_space<hbm>>) target(%dma_start3A_278 : memref<128xi32, #tpu.memory_space<vmem>>) target_semaphore(%run_scoped3A_269 : memref<!tpu.dma_semaphore, #tpu.memory_space<semaphore_mem>>)
      %dma_wait3A_282 = arith.constant 0 : i32
      %dma_wait3A_283 = tpu.memref_slice %arg8[%run_scoped3A_110, %dma_wait3A_282] : memref<4x128xi32, #tpu.memory_space<vmem>> -> memref<1x128xi32, #tpu.memory_space<vmem>>
      %dma_wait3A_284 = tpu.memref_squeeze %dma_wait3A_283 : memref<1x128xi32, #tpu.memory_space<vmem>> -> memref<128xi32, #tpu.memory_space<vmem>>
      %dma_wait3A_285 = arith.constant 0 : i32
      %dma_wait3A_286 = tpu.memref_slice %arg2[%add3A, %run_scoped3A_109, %dma_wait3A_285] : memref<32x4x128xi32, #tpu.memory_space<hbm>> -> memref<1x1x128xi32, #tpu.memory_space<hbm>>
      %dma_wait3A_287 = tpu.memref_squeeze %dma_wait3A_286 : memref<1x1x128xi32, #tpu.memory_space<hbm>> -> memref<128xi32, #tpu.memory_space<hbm>>
      %dma_wait3A_288 = arith.constant 0 : i32
      %dma_wait3A_289 = tpu.memref_slice %arg8[%run_scoped3A_110, %dma_wait3A_288] : memref<4x128xi32, #tpu.memory_space<vmem>> -> memref<1x128xi32, #tpu.memory_space<vmem>>
      %dma_wait3A_290 = tpu.memref_squeeze %dma_wait3A_289 : memref<1x128xi32, #tpu.memory_space<vmem>> -> memref<128xi32, #tpu.memory_space<vmem>>
      %dma_wait3A_291 = arith.constant 0 : i32
      %dma_wait3A_292 = tpu.memref_slice %arg2[%add3A, %run_scoped3A_109, %dma_wait3A_291] : memref<32x4x128xi32, #tpu.memory_space<hbm>> -> memref<1x1x128xi32, #tpu.memory_space<hbm>>
      %dma_wait3A_293 = tpu.memref_squeeze %dma_wait3A_292 : memref<1x1x128xi32, #tpu.memory_space<hbm>> -> memref<128xi32, #tpu.memory_space<hbm>>
      tpu.wait_dma2 semaphore(%run_scoped3A_269 : memref<!tpu.dma_semaphore, #tpu.memory_space<semaphore_mem>>) src(%dma_wait3A_293 : memref<128xi32, #tpu.memory_space<hbm>>) dst(%dma_wait3A_290 : memref<128xi32, #tpu.memory_space<vmem>>)
      tpu.yield
    }) : () -> ()
    %run_scoped3A_111 = arith.constant 3 : i32
    %run_scoped3A_112 = arith.constant 3 : i32
    "tpu.region"() ({
      %run_scoped3A_269 = tpu.sem_alloc : memref<!tpu.dma_semaphore, #tpu.memory_space<semaphore_mem>>
      %dma_start3A_270 = arith.constant 0 : i32
      %dma_start3A_271 = tpu.memref_slice %arg9[%run_scoped3A_112, %dma_start3A_270] : memref<4x128xi32, #tpu.memory_space<vmem>> -> memref<1x128xi32, #tpu.memory_space<vmem>>
      %dma_start3A_272 = tpu.memref_squeeze %dma_start3A_271 : memref<1x128xi32, #tpu.memory_space<vmem>> -> memref<128xi32, #tpu.memory_space<vmem>>
      %dma_start3A_273 = arith.constant 0 : i32
      %dma_start3A_274 = tpu.memref_slice %arg3[%add3A, %run_scoped3A_111, %dma_start3A_273] : memref<32x4x128xi32, #tpu.memory_space<hbm>> -> memref<1x1x128xi32, #tpu.memory_space<hbm>>
      %dma_start3A_275 = tpu.memref_squeeze %dma_start3A_274 : memref<1x1x128xi32, #tpu.memory_space<hbm>> -> memref<128xi32, #tpu.memory_space<hbm>>
      %dma_start3A_276 = arith.constant 0 : i32
      %dma_start3A_277 = tpu.memref_slice %arg9[%run_scoped3A_112, %dma_start3A_276] : memref<4x128xi32, #tpu.memory_space<vmem>> -> memref<1x128xi32, #tpu.memory_space<vmem>>
      %dma_start3A_278 = tpu.memref_squeeze %dma_start3A_277 : memref<1x128xi32, #tpu.memory_space<vmem>> -> memref<128xi32, #tpu.memory_space<vmem>>
      %dma_start3A_279 = arith.constant 0 : i32
      %dma_start3A_280 = tpu.memref_slice %arg3[%add3A, %run_scoped3A_111, %dma_start3A_279] : memref<32x4x128xi32, #tpu.memory_space<hbm>> -> memref<1x1x128xi32, #tpu.memory_space<hbm>>
      %dma_start3A_281 = tpu.memref_squeeze %dma_start3A_280 : memref<1x1x128xi32, #tpu.memory_space<hbm>> -> memref<128xi32, #tpu.memory_space<hbm>>
      tpu.enqueue_dma source(%dma_start3A_281 : memref<128xi32, #tpu.memory_space<hbm>>) target(%dma_start3A_278 : memref<128xi32, #tpu.memory_space<vmem>>) target_semaphore(%run_scoped3A_269 : memref<!tpu.dma_semaphore, #tpu.memory_space<semaphore_mem>>)
      %dma_wait3A_282 = arith.constant 0 : i32
      %dma_wait3A_283 = tpu.memref_slice %arg9[%run_scoped3A_112, %dma_wait3A_282] : memref<4x128xi32, #tpu.memory_space<vmem>> -> memref<1x128xi32, #tpu.memory_space<vmem>>
      %dma_wait3A_284 = tpu.memref_squeeze %dma_wait3A_283 : memref<1x128xi32, #tpu.memory_space<vmem>> -> memref<128xi32, #tpu.memory_space<vmem>>
      %dma_wait3A_285 = arith.constant 0 : i32
      %dma_wait3A_286 = tpu.memref_slice %arg3[%add3A, %run_scoped3A_111, %dma_wait3A_285] : memref<32x4x128xi32, #tpu.memory_space<hbm>> -> memref<1x1x128xi32, #tpu.memory_space<hbm>>
      %dma_wait3A_287 = tpu.memref_squeeze %dma_wait3A_286 : memref<1x1x128xi32, #tpu.memory_space<hbm>> -> memref<128xi32, #tpu.memory_space<hbm>>
      %dma_wait3A_288 = arith.constant 0 : i32
      %dma_wait3A_289 = tpu.memref_slice %arg9[%run_scoped3A_112, %dma_wait3A_288] : memref<4x128xi32, #tpu.memory_space<vmem>> -> memref<1x128xi32, #tpu.memory_space<vmem>>
      %dma_wait3A_290 = tpu.memref_squeeze %dma_wait3A_289 : memref<1x128xi32, #tpu.memory_space<vmem>> -> memref<128xi32, #tpu.memory_space<vmem>>
      %dma_wait3A_291 = arith.constant 0 : i32
      %dma_wait3A_292 = tpu.memref_slice %arg3[%add3A, %run_scoped3A_111, %dma_wait3A_291] : memref<32x4x128xi32, #tpu.memory_space<hbm>> -> memref<1x1x128xi32, #tpu.memory_space<hbm>>
      %dma_wait3A_293 = tpu.memref_squeeze %dma_wait3A_292 : memref<1x1x128xi32, #tpu.memory_space<hbm>> -> memref<128xi32, #tpu.memory_space<hbm>>
      tpu.wait_dma2 semaphore(%run_scoped3A_269 : memref<!tpu.dma_semaphore, #tpu.memory_space<semaphore_mem>>) src(%dma_wait3A_293 : memref<128xi32, #tpu.memory_space<hbm>>) dst(%dma_wait3A_290 : memref<128xi32, #tpu.memory_space<vmem>>)
      tpu.yield
    }) : () -> ()
    %run_scoped3A_113 = arith.constant 3 : i32
    %run_scoped3A_114 = arith.constant 3 : i32
    "tpu.region"() ({
      %run_scoped3A_269 = tpu.sem_alloc : memref<!tpu.dma_semaphore, #tpu.memory_space<semaphore_mem>>
      %dma_start3A_270 = arith.constant 0 : i32
      %dma_start3A_271 = tpu.memref_slice %arg10[%run_scoped3A_114, %dma_start3A_270] : memref<4x128xi32, #tpu.memory_space<vmem>> -> memref<1x128xi32, #tpu.memory_space<vmem>>
      %dma_start3A_272 = tpu.memref_squeeze %dma_start3A_271 : memref<1x128xi32, #tpu.memory_space<vmem>> -> memref<128xi32, #tpu.memory_space<vmem>>
      %dma_start3A_273 = arith.constant 0 : i32
      %dma_start3A_274 = tpu.memref_slice %arg4[%add3A, %run_scoped3A_113, %dma_start3A_273] : memref<32x4x128xi32, #tpu.memory_space<hbm>> -> memref<1x1x128xi32, #tpu.memory_space<hbm>>
      %dma_start3A_275 = tpu.memref_squeeze %dma_start3A_274 : memref<1x1x128xi32, #tpu.memory_space<hbm>> -> memref<128xi32, #tpu.memory_space<hbm>>
      %dma_start3A_276 = arith.constant 0 : i32
      %dma_start3A_277 = tpu.memref_slice %arg10[%run_scoped3A_114, %dma_start3A_276] : memref<4x128xi32, #tpu.memory_space<vmem>> -> memref<1x128xi32, #tpu.memory_space<vmem>>
      %dma_start3A_278 = tpu.memref_squeeze %dma_start3A_277 : memref<1x128xi32, #tpu.memory_space<vmem>> -> memref<128xi32, #tpu.memory_space<vmem>>
      %dma_start3A_279 = arith.constant 0 : i32
      %dma_start3A_280 = tpu.memref_slice %arg4[%add3A, %run_scoped3A_113, %dma_start3A_279] : memref<32x4x128xi32, #tpu.memory_space<hbm>> -> memref<1x1x128xi32, #tpu.memory_space<hbm>>
      %dma_start3A_281 = tpu.memref_squeeze %dma_start3A_280 : memref<1x1x128xi32, #tpu.memory_space<hbm>> -> memref<128xi32, #tpu.memory_space<hbm>>
      tpu.enqueue_dma source(%dma_start3A_281 : memref<128xi32, #tpu.memory_space<hbm>>) target(%dma_start3A_278 : memref<128xi32, #tpu.memory_space<vmem>>) target_semaphore(%run_scoped3A_269 : memref<!tpu.dma_semaphore, #tpu.memory_space<semaphore_mem>>)
      %dma_wait3A_282 = arith.constant 0 : i32
      %dma_wait3A_283 = tpu.memref_slice %arg10[%run_scoped3A_114, %dma_wait3A_282] : memref<4x128xi32, #tpu.memory_space<vmem>> -> memref<1x128xi32, #tpu.memory_space<vmem>>
      %dma_wait3A_284 = tpu.memref_squeeze %dma_wait3A_283 : memref<1x128xi32, #tpu.memory_space<vmem>> -> memref<128xi32, #tpu.memory_space<vmem>>
      %dma_wait3A_285 = arith.constant 0 : i32
      %dma_wait3A_286 = tpu.memref_slice %arg4[%add3A, %run_scoped3A_113, %dma_wait3A_285] : memref<32x4x128xi32, #tpu.memory_space<hbm>> -> memref<1x1x128xi32, #tpu.memory_space<hbm>>
      %dma_wait3A_287 = tpu.memref_squeeze %dma_wait3A_286 : memref<1x1x128xi32, #tpu.memory_space<hbm>> -> memref<128xi32, #tpu.memory_space<hbm>>
      %dma_wait3A_288 = arith.constant 0 : i32
      %dma_wait3A_289 = tpu.memref_slice %arg10[%run_scoped3A_114, %dma_wait3A_288] : memref<4x128xi32, #tpu.memory_space<vmem>> -> memref<1x128xi32, #tpu.memory_space<vmem>>
      %dma_wait3A_290 = tpu.memref_squeeze %dma_wait3A_289 : memref<1x128xi32, #tpu.memory_space<vmem>> -> memref<128xi32, #tpu.memory_space<vmem>>
      %dma_wait3A_291 = arith.constant 0 : i32
      %dma_wait3A_292 = tpu.memref_slice %arg4[%add3A, %run_scoped3A_113, %dma_wait3A_291] : memref<32x4x128xi32, #tpu.memory_space<hbm>> -> memref<1x1x128xi32, #tpu.memory_space<hbm>>
      %dma_wait3A_293 = tpu.memref_squeeze %dma_wait3A_292 : memref<1x1x128xi32, #tpu.memory_space<hbm>> -> memref<128xi32, #tpu.memory_space<hbm>>
      tpu.wait_dma2 semaphore(%run_scoped3A_269 : memref<!tpu.dma_semaphore, #tpu.memory_space<semaphore_mem>>) src(%dma_wait3A_293 : memref<128xi32, #tpu.memory_space<hbm>>) dst(%dma_wait3A_290 : memref<128xi32, #tpu.memory_space<vmem>>)
      tpu.yield
    }) : () -> ()
    %dma_start3A_115 = arith.constant 3 : i32
    %dma_start3A_116 = arith.constant 384 : i32
    %dma_start3A_117 = arith.constant 0 : i32
    %dma_start3A_118 = tpu.memref_slice %arg11[%dma_start3A_116, %dma_start3A_117] : memref<512x64xf32, #tpu.memory_space<vmem>> -> memref<128x64xf32, #tpu.memory_space<vmem>>
    %dma_start3A_119 = arith.constant 0 : i32
    %dma_start3A_120 = tpu.memref_slice %arg8[%dma_start3A_115, %dma_start3A_119] : memref<4x128xi32, #tpu.memory_space<vmem>> -> memref<1x128xi32, #tpu.memory_space<vmem>>
    %dma_start3A_121 = tpu.memref_squeeze %dma_start3A_120 : memref<1x128xi32, #tpu.memory_space<vmem>> -> memref<128xi32, #tpu.memory_space<vmem>>
    %dma_start3A_122 = arith.constant 0 : i32
    %dma_start3A_123 = arith.constant 0 : i32
    %dma_start3A_124 = tpu.memref_slice %arg5[%dma_start3A_122, %dma_start3A_123] : memref<1000000x64xf32, #tpu.memory_space<hbm>> -> memref<1000000x64xf32, #tpu.memory_space<hbm>>
    tpu.enqueue_indirect_dma source(%dma_start3A_124 : memref<1000000x64xf32, #tpu.memory_space<hbm>>) target(%dma_start3A_118 : memref<128x64xf32, #tpu.memory_space<vmem>>) offsets(%dma_start3A_121 : memref<128xi32, #tpu.memory_space<vmem>>) semaphore(%arg15 : memref<!tpu.dma_semaphore, #tpu.memory_space<semaphore_mem>>)
    %dma_start3A_125 = arith.constant 3 : i32
    %dma_start3A_126 = arith.constant 384 : i32
    %dma_start3A_127 = arith.constant 0 : i32
    %dma_start3A_128 = tpu.memref_slice %arg12[%dma_start3A_126, %dma_start3A_127] : memref<512x64xf32, #tpu.memory_space<vmem>> -> memref<128x64xf32, #tpu.memory_space<vmem>>
    %dma_start3A_129 = arith.constant 0 : i32
    %dma_start3A_130 = tpu.memref_slice %arg9[%dma_start3A_125, %dma_start3A_129] : memref<4x128xi32, #tpu.memory_space<vmem>> -> memref<1x128xi32, #tpu.memory_space<vmem>>
    %dma_start3A_131 = tpu.memref_squeeze %dma_start3A_130 : memref<1x128xi32, #tpu.memory_space<vmem>> -> memref<128xi32, #tpu.memory_space<vmem>>
    %dma_start3A_132 = arith.constant 0 : i32
    %dma_start3A_133 = arith.constant 0 : i32
    %dma_start3A_134 = tpu.memref_slice %arg6[%dma_start3A_132, %dma_start3A_133] : memref<1000000x64xf32, #tpu.memory_space<hbm>> -> memref<1000000x64xf32, #tpu.memory_space<hbm>>
    tpu.enqueue_indirect_dma source(%dma_start3A_134 : memref<1000000x64xf32, #tpu.memory_space<hbm>>) target(%dma_start3A_128 : memref<128x64xf32, #tpu.memory_space<vmem>>) offsets(%dma_start3A_131 : memref<128xi32, #tpu.memory_space<vmem>>) semaphore(%arg15 : memref<!tpu.dma_semaphore, #tpu.memory_space<semaphore_mem>>)
    %dma_start3A_135 = arith.constant 3 : i32
    %dma_start3A_136 = arith.constant 384 : i32
    %dma_start3A_137 = arith.constant 0 : i32
    %dma_start3A_138 = tpu.memref_slice %arg13[%dma_start3A_136, %dma_start3A_137] : memref<512x64xf32, #tpu.memory_space<vmem>> -> memref<128x64xf32, #tpu.memory_space<vmem>>
    %dma_start3A_139 = arith.constant 0 : i32
    %dma_start3A_140 = tpu.memref_slice %arg10[%dma_start3A_135, %dma_start3A_139] : memref<4x128xi32, #tpu.memory_space<vmem>> -> memref<1x128xi32, #tpu.memory_space<vmem>>
    %dma_start3A_141 = tpu.memref_squeeze %dma_start3A_140 : memref<1x128xi32, #tpu.memory_space<vmem>> -> memref<128xi32, #tpu.memory_space<vmem>>
    %dma_start3A_142 = arith.constant 0 : i32
    %dma_start3A_143 = arith.constant 0 : i32
    %dma_start3A_144 = tpu.memref_slice %arg6[%dma_start3A_142, %dma_start3A_143] : memref<1000000x64xf32, #tpu.memory_space<hbm>> -> memref<1000000x64xf32, #tpu.memory_space<hbm>>
    tpu.enqueue_indirect_dma source(%dma_start3A_144 : memref<1000000x64xf32, #tpu.memory_space<hbm>>) target(%dma_start3A_138 : memref<128x64xf32, #tpu.memory_space<vmem>>) offsets(%dma_start3A_141 : memref<128xi32, #tpu.memory_space<vmem>>) semaphore(%arg15 : memref<!tpu.dma_semaphore, #tpu.memory_space<semaphore_mem>>)
    %dma_wait3A = arith.constant 0 : i32
    %dma_wait3A_145 = arith.constant 0 : i32
    %dma_wait3A_146 = arith.constant 0 : i32
    %dma_wait3A_147 = tpu.memref_slice %arg11[%dma_wait3A_145, %dma_wait3A_146] : memref<512x64xf32, #tpu.memory_space<vmem>> -> memref<128x64xf32, #tpu.memory_space<vmem>>
    %dma_wait3A_148 = arith.constant 0 : i32
    %dma_wait3A_149 = tpu.memref_slice %arg8[%dma_wait3A, %dma_wait3A_148] : memref<4x128xi32, #tpu.memory_space<vmem>> -> memref<1x128xi32, #tpu.memory_space<vmem>>
    %dma_wait3A_150 = tpu.memref_squeeze %dma_wait3A_149 : memref<1x128xi32, #tpu.memory_space<vmem>> -> memref<128xi32, #tpu.memory_space<vmem>>
    %dma_wait3A_151 = arith.constant 0 : i32
    %dma_wait3A_152 = arith.constant 0 : i32
    %dma_wait3A_153 = tpu.memref_slice %arg5[%dma_wait3A_151, %dma_wait3A_152] : memref<1000000x64xf32, #tpu.memory_space<hbm>> -> memref<1000000x64xf32, #tpu.memory_space<hbm>>
    tpu.wait_indirect_dma semaphore(%arg15 : memref<!tpu.dma_semaphore, #tpu.memory_space<semaphore_mem>>) src(%dma_wait3A_153 : memref<1000000x64xf32, #tpu.memory_space<hbm>>) dst(%dma_wait3A_147 : memref<128x64xf32, #tpu.memory_space<vmem>>)
    %dma_wait3A_154 = arith.constant 0 : i32
    %dma_wait3A_155 = arith.constant 0 : i32
    %dma_wait3A_156 = arith.constant 0 : i32
    %dma_wait3A_157 = tpu.memref_slice %arg12[%dma_wait3A_155, %dma_wait3A_156] : memref<512x64xf32, #tpu.memory_space<vmem>> -> memref<128x64xf32, #tpu.memory_space<vmem>>
    %dma_wait3A_158 = arith.constant 0 : i32
    %dma_wait3A_159 = tpu.memref_slice %arg9[%dma_wait3A_154, %dma_wait3A_158] : memref<4x128xi32, #tpu.memory_space<vmem>> -> memref<1x128xi32, #tpu.memory_space<vmem>>
    %dma_wait3A_160 = tpu.memref_squeeze %dma_wait3A_159 : memref<1x128xi32, #tpu.memory_space<vmem>> -> memref<128xi32, #tpu.memory_space<vmem>>
    %dma_wait3A_161 = arith.constant 0 : i32
    %dma_wait3A_162 = arith.constant 0 : i32
    %dma_wait3A_163 = tpu.memref_slice %arg6[%dma_wait3A_161, %dma_wait3A_162] : memref<1000000x64xf32, #tpu.memory_space<hbm>> -> memref<1000000x64xf32, #tpu.memory_space<hbm>>
    tpu.wait_indirect_dma semaphore(%arg15 : memref<!tpu.dma_semaphore, #tpu.memory_space<semaphore_mem>>) src(%dma_wait3A_163 : memref<1000000x64xf32, #tpu.memory_space<hbm>>) dst(%dma_wait3A_157 : memref<128x64xf32, #tpu.memory_space<vmem>>)
    %dma_wait3A_164 = arith.constant 0 : i32
    %dma_wait3A_165 = arith.constant 0 : i32
    %dma_wait3A_166 = arith.constant 0 : i32
    %dma_wait3A_167 = tpu.memref_slice %arg13[%dma_wait3A_165, %dma_wait3A_166] : memref<512x64xf32, #tpu.memory_space<vmem>> -> memref<128x64xf32, #tpu.memory_space<vmem>>
    %dma_wait3A_168 = arith.constant 0 : i32
    %dma_wait3A_169 = tpu.memref_slice %arg10[%dma_wait3A_164, %dma_wait3A_168] : memref<4x128xi32, #tpu.memory_space<vmem>> -> memref<1x128xi32, #tpu.memory_space<vmem>>
    %dma_wait3A_170 = tpu.memref_squeeze %dma_wait3A_169 : memref<1x128xi32, #tpu.memory_space<vmem>> -> memref<128xi32, #tpu.memory_space<vmem>>
    %dma_wait3A_171 = arith.constant 0 : i32
    %dma_wait3A_172 = arith.constant 0 : i32
    %dma_wait3A_173 = tpu.memref_slice %arg6[%dma_wait3A_171, %dma_wait3A_172] : memref<1000000x64xf32, #tpu.memory_space<hbm>> -> memref<1000000x64xf32, #tpu.memory_space<hbm>>
    tpu.wait_indirect_dma semaphore(%arg15 : memref<!tpu.dma_semaphore, #tpu.memory_space<semaphore_mem>>) src(%dma_wait3A_173 : memref<1000000x64xf32, #tpu.memory_space<hbm>>) dst(%dma_wait3A_167 : memref<128x64xf32, #tpu.memory_space<vmem>>)
    %dma_wait3A_174 = arith.constant 1 : i32
    %dma_wait3A_175 = arith.constant 128 : i32
    %dma_wait3A_176 = arith.constant 0 : i32
    %dma_wait3A_177 = tpu.memref_slice %arg11[%dma_wait3A_175, %dma_wait3A_176] : memref<512x64xf32, #tpu.memory_space<vmem>> -> memref<128x64xf32, #tpu.memory_space<vmem>>
    %dma_wait3A_178 = arith.constant 0 : i32
    %dma_wait3A_179 = tpu.memref_slice %arg8[%dma_wait3A_174, %dma_wait3A_178] : memref<4x128xi32, #tpu.memory_space<vmem>> -> memref<1x128xi32, #tpu.memory_space<vmem>>
    %dma_wait3A_180 = tpu.memref_squeeze %dma_wait3A_179 : memref<1x128xi32, #tpu.memory_space<vmem>> -> memref<128xi32, #tpu.memory_space<vmem>>
    %dma_wait3A_181 = arith.constant 0 : i32
    %dma_wait3A_182 = arith.constant 0 : i32
    %dma_wait3A_183 = tpu.memref_slice %arg5[%dma_wait3A_181, %dma_wait3A_182] : memref<1000000x64xf32, #tpu.memory_space<hbm>> -> memref<1000000x64xf32, #tpu.memory_space<hbm>>
    tpu.wait_indirect_dma semaphore(%arg15 : memref<!tpu.dma_semaphore, #tpu.memory_space<semaphore_mem>>) src(%dma_wait3A_183 : memref<1000000x64xf32, #tpu.memory_space<hbm>>) dst(%dma_wait3A_177 : memref<128x64xf32, #tpu.memory_space<vmem>>)
    %dma_wait3A_184 = arith.constant 1 : i32
    %dma_wait3A_185 = arith.constant 128 : i32
    %dma_wait3A_186 = arith.constant 0 : i32
    %dma_wait3A_187 = tpu.memref_slice %arg12[%dma_wait3A_185, %dma_wait3A_186] : memref<512x64xf32, #tpu.memory_space<vmem>> -> memref<128x64xf32, #tpu.memory_space<vmem>>
    %dma_wait3A_188 = arith.constant 0 : i32
    %dma_wait3A_189 = tpu.memref_slice %arg9[%dma_wait3A_184, %dma_wait3A_188] : memref<4x128xi32, #tpu.memory_space<vmem>> -> memref<1x128xi32, #tpu.memory_space<vmem>>
    %dma_wait3A_190 = tpu.memref_squeeze %dma_wait3A_189 : memref<1x128xi32, #tpu.memory_space<vmem>> -> memref<128xi32, #tpu.memory_space<vmem>>
    %dma_wait3A_191 = arith.constant 0 : i32
    %dma_wait3A_192 = arith.constant 0 : i32
    %dma_wait3A_193 = tpu.memref_slice %arg6[%dma_wait3A_191, %dma_wait3A_192] : memref<1000000x64xf32, #tpu.memory_space<hbm>> -> memref<1000000x64xf32, #tpu.memory_space<hbm>>
    tpu.wait_indirect_dma semaphore(%arg15 : memref<!tpu.dma_semaphore, #tpu.memory_space<semaphore_mem>>) src(%dma_wait3A_193 : memref<1000000x64xf32, #tpu.memory_space<hbm>>) dst(%dma_wait3A_187 : memref<128x64xf32, #tpu.memory_space<vmem>>)
    %dma_wait3A_194 = arith.constant 1 : i32
    %dma_wait3A_195 = arith.constant 128 : i32
    %dma_wait3A_196 = arith.constant 0 : i32
    %dma_wait3A_197 = tpu.memref_slice %arg13[%dma_wait3A_195, %dma_wait3A_196] : memref<512x64xf32, #tpu.memory_space<vmem>> -> memref<128x64xf32, #tpu.memory_space<vmem>>
    %dma_wait3A_198 = arith.constant 0 : i32
    %dma_wait3A_199 = tpu.memref_slice %arg10[%dma_wait3A_194, %dma_wait3A_198] : memref<4x128xi32, #tpu.memory_space<vmem>> -> memref<1x128xi32, #tpu.memory_space<vmem>>
    %dma_wait3A_200 = tpu.memref_squeeze %dma_wait3A_199 : memref<1x128xi32, #tpu.memory_space<vmem>> -> memref<128xi32, #tpu.memory_space<vmem>>
    %dma_wait3A_201 = arith.constant 0 : i32
    %dma_wait3A_202 = arith.constant 0 : i32
    %dma_wait3A_203 = tpu.memref_slice %arg6[%dma_wait3A_201, %dma_wait3A_202] : memref<1000000x64xf32, #tpu.memory_space<hbm>> -> memref<1000000x64xf32, #tpu.memory_space<hbm>>
    tpu.wait_indirect_dma semaphore(%arg15 : memref<!tpu.dma_semaphore, #tpu.memory_space<semaphore_mem>>) src(%dma_wait3A_203 : memref<1000000x64xf32, #tpu.memory_space<hbm>>) dst(%dma_wait3A_197 : memref<128x64xf32, #tpu.memory_space<vmem>>)
    %dma_wait3A_204 = arith.constant 2 : i32
    %dma_wait3A_205 = arith.constant 256 : i32
    %dma_wait3A_206 = arith.constant 0 : i32
    %dma_wait3A_207 = tpu.memref_slice %arg11[%dma_wait3A_205, %dma_wait3A_206] : memref<512x64xf32, #tpu.memory_space<vmem>> -> memref<128x64xf32, #tpu.memory_space<vmem>>
    %dma_wait3A_208 = arith.constant 0 : i32
    %dma_wait3A_209 = tpu.memref_slice %arg8[%dma_wait3A_204, %dma_wait3A_208] : memref<4x128xi32, #tpu.memory_space<vmem>> -> memref<1x128xi32, #tpu.memory_space<vmem>>
    %dma_wait3A_210 = tpu.memref_squeeze %dma_wait3A_209 : memref<1x128xi32, #tpu.memory_space<vmem>> -> memref<128xi32, #tpu.memory_space<vmem>>
    %dma_wait3A_211 = arith.constant 0 : i32
    %dma_wait3A_212 = arith.constant 0 : i32
    %dma_wait3A_213 = tpu.memref_slice %arg5[%dma_wait3A_211, %dma_wait3A_212] : memref<1000000x64xf32, #tpu.memory_space<hbm>> -> memref<1000000x64xf32, #tpu.memory_space<hbm>>
    tpu.wait_indirect_dma semaphore(%arg15 : memref<!tpu.dma_semaphore, #tpu.memory_space<semaphore_mem>>) src(%dma_wait3A_213 : memref<1000000x64xf32, #tpu.memory_space<hbm>>) dst(%dma_wait3A_207 : memref<128x64xf32, #tpu.memory_space<vmem>>)
    %dma_wait3A_214 = arith.constant 2 : i32
    %dma_wait3A_215 = arith.constant 256 : i32
    %dma_wait3A_216 = arith.constant 0 : i32
    %dma_wait3A_217 = tpu.memref_slice %arg12[%dma_wait3A_215, %dma_wait3A_216] : memref<512x64xf32, #tpu.memory_space<vmem>> -> memref<128x64xf32, #tpu.memory_space<vmem>>
    %dma_wait3A_218 = arith.constant 0 : i32
    %dma_wait3A_219 = tpu.memref_slice %arg9[%dma_wait3A_214, %dma_wait3A_218] : memref<4x128xi32, #tpu.memory_space<vmem>> -> memref<1x128xi32, #tpu.memory_space<vmem>>
    %dma_wait3A_220 = tpu.memref_squeeze %dma_wait3A_219 : memref<1x128xi32, #tpu.memory_space<vmem>> -> memref<128xi32, #tpu.memory_space<vmem>>
    %dma_wait3A_221 = arith.constant 0 : i32
    %dma_wait3A_222 = arith.constant 0 : i32
    %dma_wait3A_223 = tpu.memref_slice %arg6[%dma_wait3A_221, %dma_wait3A_222] : memref<1000000x64xf32, #tpu.memory_space<hbm>> -> memref<1000000x64xf32, #tpu.memory_space<hbm>>
    tpu.wait_indirect_dma semaphore(%arg15 : memref<!tpu.dma_semaphore, #tpu.memory_space<semaphore_mem>>) src(%dma_wait3A_223 : memref<1000000x64xf32, #tpu.memory_space<hbm>>) dst(%dma_wait3A_217 : memref<128x64xf32, #tpu.memory_space<vmem>>)
    %dma_wait3A_224 = arith.constant 2 : i32
    %dma_wait3A_225 = arith.constant 256 : i32
    %dma_wait3A_226 = arith.constant 0 : i32
    %dma_wait3A_227 = tpu.memref_slice %arg13[%dma_wait3A_225, %dma_wait3A_226] : memref<512x64xf32, #tpu.memory_space<vmem>> -> memref<128x64xf32, #tpu.memory_space<vmem>>
    %dma_wait3A_228 = arith.constant 0 : i32
    %dma_wait3A_229 = tpu.memref_slice %arg10[%dma_wait3A_224, %dma_wait3A_228] : memref<4x128xi32, #tpu.memory_space<vmem>> -> memref<1x128xi32, #tpu.memory_space<vmem>>
    %dma_wait3A_230 = tpu.memref_squeeze %dma_wait3A_229 : memref<1x128xi32, #tpu.memory_space<vmem>> -> memref<128xi32, #tpu.memory_space<vmem>>
    %dma_wait3A_231 = arith.constant 0 : i32
    %dma_wait3A_232 = arith.constant 0 : i32
    %dma_wait3A_233 = tpu.memref_slice %arg6[%dma_wait3A_231, %dma_wait3A_232] : memref<1000000x64xf32, #tpu.memory_space<hbm>> -> memref<1000000x64xf32, #tpu.memory_space<hbm>>
    tpu.wait_indirect_dma semaphore(%arg15 : memref<!tpu.dma_semaphore, #tpu.memory_space<semaphore_mem>>) src(%dma_wait3A_233 : memref<1000000x64xf32, #tpu.memory_space<hbm>>) dst(%dma_wait3A_227 : memref<128x64xf32, #tpu.memory_space<vmem>>)
    %dma_wait3A_234 = arith.constant 3 : i32
    %dma_wait3A_235 = arith.constant 384 : i32
    %dma_wait3A_236 = arith.constant 0 : i32
    %dma_wait3A_237 = tpu.memref_slice %arg11[%dma_wait3A_235, %dma_wait3A_236] : memref<512x64xf32, #tpu.memory_space<vmem>> -> memref<128x64xf32, #tpu.memory_space<vmem>>
    %dma_wait3A_238 = arith.constant 0 : i32
    %dma_wait3A_239 = tpu.memref_slice %arg8[%dma_wait3A_234, %dma_wait3A_238] : memref<4x128xi32, #tpu.memory_space<vmem>> -> memref<1x128xi32, #tpu.memory_space<vmem>>
    %dma_wait3A_240 = tpu.memref_squeeze %dma_wait3A_239 : memref<1x128xi32, #tpu.memory_space<vmem>> -> memref<128xi32, #tpu.memory_space<vmem>>
    %dma_wait3A_241 = arith.constant 0 : i32
    %dma_wait3A_242 = arith.constant 0 : i32
    %dma_wait3A_243 = tpu.memref_slice %arg5[%dma_wait3A_241, %dma_wait3A_242] : memref<1000000x64xf32, #tpu.memory_space<hbm>> -> memref<1000000x64xf32, #tpu.memory_space<hbm>>
    tpu.wait_indirect_dma semaphore(%arg15 : memref<!tpu.dma_semaphore, #tpu.memory_space<semaphore_mem>>) src(%dma_wait3A_243 : memref<1000000x64xf32, #tpu.memory_space<hbm>>) dst(%dma_wait3A_237 : memref<128x64xf32, #tpu.memory_space<vmem>>)
    %dma_wait3A_244 = arith.constant 3 : i32
    %dma_wait3A_245 = arith.constant 384 : i32
    %dma_wait3A_246 = arith.constant 0 : i32
    %dma_wait3A_247 = tpu.memref_slice %arg12[%dma_wait3A_245, %dma_wait3A_246] : memref<512x64xf32, #tpu.memory_space<vmem>> -> memref<128x64xf32, #tpu.memory_space<vmem>>
    %dma_wait3A_248 = arith.constant 0 : i32
    %dma_wait3A_249 = tpu.memref_slice %arg9[%dma_wait3A_244, %dma_wait3A_248] : memref<4x128xi32, #tpu.memory_space<vmem>> -> memref<1x128xi32, #tpu.memory_space<vmem>>
    %dma_wait3A_250 = tpu.memref_squeeze %dma_wait3A_249 : memref<1x128xi32, #tpu.memory_space<vmem>> -> memref<128xi32, #tpu.memory_space<vmem>>
    %dma_wait3A_251 = arith.constant 0 : i32
    %dma_wait3A_252 = arith.constant 0 : i32
    %dma_wait3A_253 = tpu.memref_slice %arg6[%dma_wait3A_251, %dma_wait3A_252] : memref<1000000x64xf32, #tpu.memory_space<hbm>> -> memref<1000000x64xf32, #tpu.memory_space<hbm>>
    tpu.wait_indirect_dma semaphore(%arg15 : memref<!tpu.dma_semaphore, #tpu.memory_space<semaphore_mem>>) src(%dma_wait3A_253 : memref<1000000x64xf32, #tpu.memory_space<hbm>>) dst(%dma_wait3A_247 : memref<128x64xf32, #tpu.memory_space<vmem>>)
    %dma_wait3A_254 = arith.constant 3 : i32
    %dma_wait3A_255 = arith.constant 384 : i32
    %dma_wait3A_256 = arith.constant 0 : i32
    %dma_wait3A_257 = tpu.memref_slice %arg13[%dma_wait3A_255, %dma_wait3A_256] : memref<512x64xf32, #tpu.memory_space<vmem>> -> memref<128x64xf32, #tpu.memory_space<vmem>>
    %dma_wait3A_258 = arith.constant 0 : i32
    %dma_wait3A_259 = tpu.memref_slice %arg10[%dma_wait3A_254, %dma_wait3A_258] : memref<4x128xi32, #tpu.memory_space<vmem>> -> memref<1x128xi32, #tpu.memory_space<vmem>>
    %dma_wait3A_260 = tpu.memref_squeeze %dma_wait3A_259 : memref<1x128xi32, #tpu.memory_space<vmem>> -> memref<128xi32, #tpu.memory_space<vmem>>
    %dma_wait3A_261 = arith.constant 0 : i32
    %dma_wait3A_262 = arith.constant 0 : i32
    %dma_wait3A_263 = tpu.memref_slice %arg6[%dma_wait3A_261, %dma_wait3A_262] : memref<1000000x64xf32, #tpu.memory_space<hbm>> -> memref<1000000x64xf32, #tpu.memory_space<hbm>>
    tpu.wait_indirect_dma semaphore(%arg15 : memref<!tpu.dma_semaphore, #tpu.memory_space<semaphore_mem>>) src(%dma_wait3A_263 : memref<1000000x64xf32, #tpu.memory_space<hbm>>) dst(%dma_wait3A_257 : memref<128x64xf32, #tpu.memory_space<vmem>>)
    %scan3A = arith.constant 0 : i32
    %scan3A_264 = arith.constant 0 : i32
    %scan3A_265 = arith.constant 512 : i32
    %scan3A_266 = arith.addi %scan3A_264, %scan3A_265 : i32
    %scan3A_267 = arith.constant 1 : i32
    scf.for %scan3A_269 = %scan3A_264 to %scan3A_266 step %scan3A_267  : i32 {
      %broadcast_in_dim3A = arith.constant 0.000000e+00 : f32
      %broadcast_in_dim3A_270 = vector.broadcast %broadcast_in_dim3A : f32 to vector<16xf32>
      %get3A = arith.index_cast %scan3A_269 : i32 to index
      %get3A_271 = arith.constant 0 : index
      %get3A_272 = tpu.vector_load %arg11[%get3A, %get3A_271] {strides = array<i32>} : memref<512x64xf32, #tpu.memory_space<vmem>>, vector<1x16xf32>,
      %get3A_273 = vector.shape_cast %get3A_272 : vector<1x16xf32> to vector<16xf32>
      %get3A_274 = arith.index_cast %scan3A_269 : i32 to index
      %get3A_275 = arith.constant 0 : index
      %get3A_276 = tpu.vector_load %arg12[%get3A_274, %get3A_275] {strides = array<i32>} : memref<512x64xf32, #tpu.memory_space<vmem>>, vector<1x16xf32>,
      %get3A_277 = vector.shape_cast %get3A_276 : vector<1x16xf32> to vector<16xf32>
      %get3A_278 = arith.index_cast %scan3A_269 : i32 to index
      %get3A_279 = arith.constant 0 : index
      %get3A_280 = tpu.vector_load %arg13[%get3A_278, %get3A_279] {strides = array<i32>} : memref<512x64xf32, #tpu.memory_space<vmem>>, vector<1x16xf32>,
      %get3A_281 = vector.shape_cast %get3A_280 : vector<1x16xf32> to vector<16xf32>
      %sub3A = arith.subf %get3A_277, %get3A_281 : vector<16xf32>
      %mul3A_282 = arith.mulf %get3A_273, %sub3A : vector<16xf32>
      %add3A_283 = arith.addf %broadcast_in_dim3A_270, %mul3A_282 : vector<16xf32>
      %get3A_284 = arith.index_cast %scan3A_269 : i32 to index
      %get3A_285 = arith.constant 16 : index
      %get3A_286 = tpu.vector_load %arg11[%get3A_284, %get3A_285] {strides = array<i32>} : memref<512x64xf32, #tpu.memory_space<vmem>>, vector<1x16xf32>,
      %get3A_287 = vector.shape_cast %get3A_286 : vector<1x16xf32> to vector<16xf32>
      %get3A_288 = arith.index_cast %scan3A_269 : i32 to index
      %get3A_289 = arith.constant 16 : index
      %get3A_290 = tpu.vector_load %arg12[%get3A_288, %get3A_289] {strides = array<i32>} : memref<512x64xf32, #tpu.memory_space<vmem>>, vector<1x16xf32>,
      %get3A_291 = vector.shape_cast %get3A_290 : vector<1x16xf32> to vector<16xf32>
      %get3A_292 = arith.index_cast %scan3A_269 : i32 to index
      %get3A_293 = arith.constant 16 : index
      %get3A_294 = tpu.vector_load %arg13[%get3A_292, %get3A_293] {strides = array<i32>} : memref<512x64xf32, #tpu.memory_space<vmem>>, vector<1x16xf32>,
      %get3A_295 = vector.shape_cast %get3A_294 : vector<1x16xf32> to vector<16xf32>
      %sub3A_296 = arith.subf %get3A_291, %get3A_295 : vector<16xf32>
      %mul3A_297 = arith.mulf %get3A_287, %sub3A_296 : vector<16xf32>
      %add3A_298 = arith.addf %add3A_283, %mul3A_297 : vector<16xf32>
      %get3A_299 = arith.index_cast %scan3A_269 : i32 to index
      %get3A_300 = arith.constant 32 : index
      %get3A_301 = tpu.vector_load %arg11[%get3A_299, %get3A_300] {strides = array<i32>} : memref<512x64xf32, #tpu.memory_space<vmem>>, vector<1x16xf32>,
      %get3A_302 = vector.shape_cast %get3A_301 : vector<1x16xf32> to vector<16xf32>
      %get3A_303 = arith.index_cast %scan3A_269 : i32 to index
      %get3A_304 = arith.constant 32 : index
      %get3A_305 = tpu.vector_load %arg12[%get3A_303, %get3A_304] {strides = array<i32>} : memref<512x64xf32, #tpu.memory_space<vmem>>, vector<1x16xf32>,
      %get3A_306 = vector.shape_cast %get3A_305 : vector<1x16xf32> to vector<16xf32>
      %get3A_307 = arith.index_cast %scan3A_269 : i32 to index
      %get3A_308 = arith.constant 32 : index
      %get3A_309 = tpu.vector_load %arg13[%get3A_307, %get3A_308] {strides = array<i32>} : memref<512x64xf32, #tpu.memory_space<vmem>>, vector<1x16xf32>,
      %get3A_310 = vector.shape_cast %get3A_309 : vector<1x16xf32> to vector<16xf32>
      %sub3A_311 = arith.subf %get3A_306, %get3A_310 : vector<16xf32>
      %mul3A_312 = arith.mulf %get3A_302, %sub3A_311 : vector<16xf32>
      %add3A_313 = arith.addf %add3A_298, %mul3A_312 : vector<16xf32>
      %get3A_314 = arith.index_cast %scan3A_269 : i32 to index
      %get3A_315 = arith.constant 48 : index
      %get3A_316 = tpu.vector_load %arg11[%get3A_314, %get3A_315] {strides = array<i32>} : memref<512x64xf32, #tpu.memory_space<vmem>>, vector<1x16xf32>,
      %get3A_317 = vector.shape_cast %get3A_316 : vector<1x16xf32> to vector<16xf32>
      %get3A_318 = arith.index_cast %scan3A_269 : i32 to index
      %get3A_319 = arith.constant 48 : index
      %get3A_320 = tpu.vector_load %arg12[%get3A_318, %get3A_319] {strides = array<i32>} : memref<512x64xf32, #tpu.memory_space<vmem>>, vector<1x16xf32>,
      %get3A_321 = vector.shape_cast %get3A_320 : vector<1x16xf32> to vector<16xf32>
      %get3A_322 = arith.index_cast %scan3A_269 : i32 to index
      %get3A_323 = arith.constant 48 : index
      %get3A_324 = tpu.vector_load %arg13[%get3A_322, %get3A_323] {strides = array<i32>} : memref<512x64xf32, #tpu.memory_space<vmem>>, vector<1x16xf32>,
      %get3A_325 = vector.shape_cast %get3A_324 : vector<1x16xf32> to vector<16xf32>
      %sub3A_326 = arith.subf %get3A_321, %get3A_325 : vector<16xf32>
      %mul3A_327 = arith.mulf %get3A_317, %sub3A_326 : vector<16xf32>
      %add3A_328 = arith.addf %add3A_313, %mul3A_327 : vector<16xf32>
      %swap3A = arith.index_cast %scan3A_269 : i32 to index
      %swap3A_329 = arith.constant 0 : index
      %swap3A_330 = tpu.vector_load %arg14[%swap3A, %swap3A_329] {strides = array<i32>} : memref<512x16xf32, #tpu.memory_space<vmem>>, vector<1x16xf32>,
      %swap3A_331 = vector.shape_cast %swap3A_330 : vector<1x16xf32> to vector<16xf32>
      %swap3A_332 = vector.shape_cast %add3A_328 : vector<16xf32> to vector<1x16xf32>
      tpu.vector_store %arg14[%swap3A, %swap3A_329], %swap3A_332 {strides = array<i32>} : memref<512x16xf32, #tpu.memory_space<vmem>>, vector<1x16xf32>,
    }
    %scan3A_268 = arith.constant 512 : i32
    "tpu.region"() ({
      %run_scoped3A_269 = tpu.sem_alloc : memref<!tpu.dma_semaphore, #tpu.memory_space<semaphore_mem>>
      %dma_start3A_270 = arith.constant 0 : i32
      %dma_start3A_271 = tpu.memref_slice %arg7[%mul3A_2, %dma_start3A_270] : memref<16384x16xf32, #tpu.memory_space<hbm>> -> memref<512x16xf32, #tpu.memory_space<hbm>>
      %dma_start3A_272 = arith.constant 0 : i32
      %dma_start3A_273 = tpu.memref_slice %arg7[%mul3A_2, %dma_start3A_272] : memref<16384x16xf32, #tpu.memory_space<hbm>> -> memref<512x16xf32, #tpu.memory_space<hbm>>
      tpu.enqueue_dma source(%arg14 : memref<512x16xf32, #tpu.memory_space<vmem>>) target(%dma_start3A_273 : memref<512x16xf32, #tpu.memory_space<hbm>>) target_semaphore(%run_scoped3A_269 : memref<!tpu.dma_semaphore, #tpu.memory_space<semaphore_mem>>)
      %dma_wait3A_274 = arith.constant 0 : i32
      %dma_wait3A_275 = tpu.memref_slice %arg7[%mul3A_2, %dma_wait3A_274] : memref<16384x16xf32, #tpu.memory_space<hbm>> -> memref<512x16xf32, #tpu.memory_space<hbm>>
      %dma_wait3A_276 = arith.constant 0 : i32
      %dma_wait3A_277 = tpu.memref_slice %arg7[%mul3A_2, %dma_wait3A_276] : memref<16384x16xf32, #tpu.memory_space<hbm>> -> memref<512x16xf32, #tpu.memory_space<hbm>>
      tpu.wait_dma2 semaphore(%run_scoped3A_269 : memref<!tpu.dma_semaphore, #tpu.memory_space<semaphore_mem>>) src(%arg14 : memref<512x16xf32, #tpu.memory_space<vmem>>) dst(%dma_wait3A_277 : memref<512x16xf32, #tpu.memory_space<hbm>>)
      tpu.yield
    }) : () -> ()
    return
  }
}

module attributes {stable_mosaic.version = 14 : i64} {
  func.func @_tc_loss_body(%arg0: memref<16384x16xf32, #tpu.memory_space<vmem>>, %arg1: memref<1x1xf32, #tpu.memory_space<smem>>) attributes {dimension_semantics = [], scalar_prefetch = 0 : i64, scratch_operands = 0 : i64, tpu.core_type = #tpu.core_type<tc>} {
    %get3A = arith.constant 0 : index
    %get3A_0 = arith.constant 0 : index
    %get3A_1 = vector.load %arg0[%get3A, %get3A_0] : memref<16384x16xf32, #tpu.memory_space<vmem>>, vector<16384x16xf32>
    %reduce_sum3A = arith.constant dense<0.000000e+00> : vector<16384xf32>
    %reduce_sum3A_2 = vector.multi_reduction <add>, %get3A_1, %reduce_sum3A [1] : vector<16384x16xf32> to vector<16384xf32>
    %neg3A = arith.constant 0.000000e+00 : f32
    %neg3A_3 = vector.broadcast %neg3A : f32 to vector<16384xf32>
    %neg3A_4 = arith.subf %neg3A_3, %reduce_sum3A_2 : vector<16384xf32>
    %max3A = arith.constant 0.000000e+00 : f32
    %max3A_5 = vector.broadcast %max3A : f32 to vector<16384xf32>
    %max3A_6 = arith.maximumf %neg3A_4, %max3A_5 : vector<16384xf32>
    %abs3A = math.absf %reduce_sum3A_2 : vector<16384xf32>
    %neg3A_7 = arith.constant 0.000000e+00 : f32
    %neg3A_8 = vector.broadcast %neg3A_7 : f32 to vector<16384xf32>
    %neg3A_9 = arith.subf %neg3A_8, %abs3A : vector<16384xf32>
    %exp3A = math.exp %neg3A_9 : vector<16384xf32>
    %log1p3A = math.log1p %exp3A : vector<16384xf32>
    %add3A = arith.addf %max3A_6, %log1p3A : vector<16384xf32>
    %reduce_sum3A_10 = vector.shape_cast %add3A : vector<16384xf32> to vector<1x16384xf32>
    %reduce_sum3A_11 = arith.constant dense<0.000000e+00> : vector<1xf32>
    %reduce_sum3A_12 = vector.multi_reduction <add>, %reduce_sum3A_10, %reduce_sum3A_11 [1] : vector<1x16384xf32> to vector<1xf32>
    %reduce_sum3A_13 = vector.shape_cast %reduce_sum3A_12 : vector<1xf32> to vector<1x1xf32>
    %reduce_sum3A_14 = vector.extract %reduce_sum3A_13[0, 0] : f32 from vector<1x1xf32>
    %swap3A = arith.constant 0 : index
    %swap3A_15 = arith.constant 0 : index
    %swap3A_16 = memref.load %arg1[%swap3A, %swap3A_15] : memref<1x1xf32, #tpu.memory_space<smem>>
    memref.store %reduce_sum3A_14, %arg1[%swap3A, %swap3A_15] : memref<1x1xf32, #tpu.memory_space<smem>>
    return
  }
}

</mosaic_0001>

<sc_bundles>
// kernel: kernel.4.cloned.1.call-start
scs
__scs_entry_jumppad:
0x0: {  	(pc) =	sbr.rel $0x88, $3  }
0x1: {  	(tag) =	ssettag $0x0;
	lr =	simm.s32 $0x1  }
0x2: {  	[smem:$0x3F9C] =	sst lr;
	_ =	strace $0xD0000000  }
0x3: {  	_ = 	snop  }
0x4: {  	_ = 	snop  }
0x5: {  	_ = 	snop  }
0x6: {  	_ = 	snop  }
0x7: {  	_ = 	snop  }
__scs_overlays_trampoline_lowered:
0x8: {  	[smem:$0x3FAB] =	sst s0  }
0x9: {  	[smem:$0x3FAC] =	sst s1  }
0xa: {  	[smem:$0x3FAD] =	sst s2  }
0xb: {  	[smem:$0x3FAE] =	sst s3  }
0xc: {  	[smem:$0x3FAF] =	sst s4  }
0xd: {  	[smem:$0x3FB0] =	sst s5  }
0xe: {  	[smem:$0x3FB1] =	sst s6  }
0xf: {  	[smem:$0x3FB2] =	sst s7  }
0x10: {  	[smem:$0x3FB3] =	sst s8  }
0x11: {  	[smem:$0x3FB4] =	sst s9;
	s0 =	simm.s32 @!p0 $0x0  }
0x12: {  	s1 =	sld [smem:$0x3F9A];
	s0 =	simm.s32 @p0 $0x1  }
0x13: {  	[smem:$0x3FB5] =	sst s0;
	s0 =	simm.s32 @!p1 $0x0  }
0x14: {  	s2 =	sld [smem:$0x3F99];
	s0 =	simm.s32 @p1 $0x1  }
0x15: {  	[smem:$0x3FB6] =	sst s0;
	s0 =	simm.s32 @!p2 $0x0  }
0x16: {  	s3 =	sld [smem:$0x3FDB];
	s0 =	simm.s32 @p2 $0x1  }
0x17: {  	s4 =	simm.s32 $0x1BF5;
	[smem:$0x3FB8] =	sst s0  }
0x18: {  	s0 =	sld [smem:$0x3F9B];
	_ =	swait.ge [sflag:s4], $0x0  }
0x19: {  	s7 =	sld [smem:$0x3F9C]  }
0x1a: {  	s8 =	sadd.s32 $0xFFFFE003, lr  }
0x1b: {  	s9 =	sadd.s32 $0xFFFFFEF7, lr;
	s5 =	simm.s32 $0xFFFFFFFF;
	p2 =	slt.u32 s8, $0xFFFFF086  }
0x1c: {  	p1 =	slt.u32 s9, $0xF7A;
	s5 =	simm.s32 @!p2 $0x0  }
0x1d: {  	s5 =	simm.s32 @p1 $0x1;
	p0 =	seq.s32 s7, s2  }
0x1e: {  	s7 =	smul.u32 @!p0 $0xF7A, s2;
	p2 =	seq.s32 @!p0 s5, $0x0  }
0x1f: {  	s9 =	smul.u32 $0xF7A, s1;
	s8 =	simm.s32 @!p0 $0x1BF5;
	p2 =	por !p2, p0  }
0x20: {  	[sflag:s8] =	ssyncset.s32 @!p0 $0xFFFFF086;
	s6 =	sadd.s32 @!p0 s3, s7;
	s7 =	simm.s32 @!p0 $0x108  }
0x21: {  	s3 =	sadd.s32 s3, s9;
	s6 =	sadd.s32 @!p0 $0x88, s6;
	s7 =	simm.s32 @p2 $0x1082  }
0x22: {  	[simem:s7], [sflag:s8] =	dma.local @!p0 [hbm:s6], $0xF7A  }
0x23: {  	s9 =	sor.u32 $0xD0000000, s2;
	s6 =	simm.s32 $0x108;
	_ =	swait.ge @!p0 [sflag:s8], $0x0  }
0x24: {  	s3 =	sadd.s32 $0x88, s3;
	s6 =	simm.s32 @!p1 $0x1082;
	[sflag:s4] =	ssyncset.s32 $0xFFFFF086  }
0x25: {  	[simem:s6], [sflag:s4] =	dma.local [hbm:s3], $0xF7A  }
0x26: {  	[smem:$0x3F9C] =	sst s1;
	(tag) =	ssettag s2;
	_ =	strace s9  }
0x27: {  	s1 =	sld [smem:$0x3FAC]  }
0x28: {  	s2 =	sld [smem:$0x3FAD]  }
0x29: {  	s4 =	sld [smem:$0x3FAF]  }
0x2a: {  	p0 =	seq.s32 s5, $0x0;
	s5 =	sld [smem:$0x3FB0]  }
0x2b: {  	s6 =	sld [smem:$0x3FB1]  }
0x2c: {  	s7 =	sld [smem:$0x3FB2]  }
0x2d: {  	s3 =	simm.s32 $0x108;
	s8 =	sld [smem:$0x3FB3]  }
0x2e: {  	s3 =	simm.s32 @!p0 $0x1082;
	s9 =	sld [smem:$0x3FB4]  }
0x2f: {  	lr =	sadd.s32 s0, s3;
	s0 =	sld [smem:$0x3FAB]  }
0x30: {  	s3 =	sld [smem:$0x3FAE]  }
0x31: {  	[smem:$0x3FB7] =	sst s10  }
0x32: {  	s10 =	sld [smem:$0x3FB5];
	_ =	sdelay $0x3  }
0x33: {  	p0 =	seq.s32 s10, $0x1;
	s10 =	sld [smem:$0x3FB7];
	_ =	sdelay $0x3  }
0x34: {  	[smem:$0x3FB7] =	sst s10  }
0x35: {  	s10 =	sld [smem:$0x3FB6];
	_ =	sdelay $0x3  }
0x36: {  	p1 =	seq.s32 s10, $0x1;
	s10 =	sld [smem:$0x3FB7];
	_ =	sdelay $0x3  }
0x37: {  	[smem:$0x3FB7] =	sst s10  }
0x38: {  	s10 =	sld [smem:$0x3FB8]  }
0x39: {  	_ = 	snop;
	(pc) =	sbr.ind lr, $3  }
0x3a: {  	_ = 	snop  }
0x3b: {  	_ = 	snop  }
0x3c: {  	p2 =	seq.s32 s10, $0x1;
	s10 =	sld [smem:$0x3FB7]  }
0x3d: {  	_ =	shalt  }
0x3e: {  	_ =	shalt  }
0x3f: {  	_ =	shalt  }
0x40: {  	_ =	shalt  }
0x41: {  	_ =	shalt  }
0x42: {  	_ =	shalt  }
0x43: {  	_ =	shalt  }
0x44: {  	_ =	shalt  }
0x45: {  	_ =	shalt  }
0x46: {  	_ =	shalt  }
0x47: {  	_ =	shalt  }
0x48: {  	_ =	shalt  }
0x49: {  	_ =	shalt  }
0x4a: {  	_ =	shalt  }
0x4b: {  	_ =	shalt  }
0x4c: {  	_ =	shalt  }
0x4d: {  	_ =	shalt  }
0x4e: {  	_ =	shalt  }
0x4f: {  	_ =	shalt  }
0x50: {  	_ =	shalt  }
0x51: {  	_ =	shalt  }
0x52: {  	_ =	shalt  }
0x53: {  	_ =	shalt  }
0x54: {  	_ =	shalt  }
0x55: {  	_ =	shalt  }
0x56: {  	_ =	shalt  }
0x57: {  	_ =	shalt  }
0x58: {  	_ =	shalt  }
0x59: {  	_ =	shalt  }
0x5a: {  	_ =	shalt  }
0x5b: {  	_ =	shalt  }
0x5c: {  	_ =	shalt  }
0x5d: {  	_ =	shalt  }
0x5e: {  	_ =	shalt  }
0x5f: {  	_ =	shalt  }
0x60: {  	_ =	shalt  }
0x61: {  	_ =	shalt  }
0x62: {  	_ =	shalt  }
0x63: {  	_ =	shalt  }
0x64: {  	_ =	shalt  }
0x65: {  	_ =	shalt  }
0x66: {  	_ =	shalt  }
0x67: {  	_ =	shalt  }
0x68: {  	_ =	shalt  }
0x69: {  	_ =	shalt  }
0x6a: {  	_ =	shalt  }
0x6b: {  	_ =	shalt  }
0x6c: {  	_ =	shalt  }
0x6d: {  	_ =	shalt  }
0x6e: {  	_ =	shalt  }
0x6f: {  	_ =	shalt  }
0x70: {  	_ =	shalt  }
0x71: {  	_ =	shalt  }
0x72: {  	_ =	shalt  }
0x73: {  	_ =	shalt  }
0x74: {  	_ =	shalt  }
0x75: {  	_ =	shalt  }
0x76: {  	_ =	shalt  }
0x77: {  	_ =	shalt  }
0x78: {  	_ =	shalt  }
0x79: {  	_ =	shalt  }
0x7a: {  	_ =	shalt  }
0x7b: {  	_ =	shalt  }
0x7c: {  	_ =	shalt  }
0x7d: {  	_ =	shalt  }
0x7e: {  	_ =	shalt  }
0x7f: {  	_ =	shalt  }
0x80: {  	_ =	shalt  }
0x81: {  	_ =	shalt  }
0x82: {  	_ =	shalt  }
0x83: {  	_ =	shalt  }
0x84: {  	_ =	shalt  }
0x85: {  	_ =	shalt  }
0x86: {  	_ =	shalt  }
0x87: {  	_ =	shalt  }
.Lfunc_end0:
.L_simem_size_0:
called_computation_lowered:
.L_overlay_start_0:
0x88: {  	s2 =	sld [smem:$0x3FD9]  }
0x89: {  	s3 =	sld [smem:$0x3FFE];
	_ =	sdelay $0x1  }
0x8a: {  	s1 =	srdreg.scid  }
0x8b: {  	s0 =	sand.u32 $0x1, s1  }
0x8c: {  	s17 =	sshll.u32 s0, $0xA;
	s2 =	sadd.s32 s3, s2  }
0x8d: {  	s2 =	sadd.s32 s2, s17  }
0x8e: {  	[smem:$0x3FC3] =	sst s2  }
0x8f: {  	_ = 	snop  }
0x90: {  	s2 =	sld [smem:$0x3FC9]  }
0x91: {  	s18 =	sld [smem:$0x3FC8]  }
0x92: {  	s4 =	sld [smem:$0x3FC7];
	(tm) =	ssettm $0x1  }
0x93: {  	s5 =	sld [smem:$0x3FFB];
	_ =	sdelay $0x3  }
0x94: {  	_ =	strace s5  }
0x95: {  	s5 =	sld [smem:$0x3FFC];
	_ =	sdelay $0x3  }
0x96: {  	_ =	strace s5  }
0x97: {  	s5 =	sld [smem:$0x3FFD];
	_ =	sdelay $0x3  }
0x98: {  	_ =	strace s5  }
0x99: {  	_ =	strace $0x8FFFFFFF  }
0x9a: {  	s19 =	sld [smem:$0x3FDB];
	_ =	sdelay $0x1  }
0x9b: {  	s6 =	simm.s32 $_scs_section_size  }
0x9c: {  	s7 =	simm.s32 $_size__tile_overlayer_lowered;
	s8 =	simm.s32 $_tile_overlayer_lowered  }
0x9d: {  	s22 =	simm.s32 $0x1BFF;
	s21 =	sshll.u32 s8, $0x1;
	s5 =	sadd.s32 s6, s19  }
0x9e: {  	s9 =	simm.s32 $0x0;
	s20 =	sshll.u32 s7, $0x1;
	s7 =	sadd.s32 s21, s5  }
0x9f: {  	[timem:s9], [sflag:s22] =	dma.local [hbm:s7], s20  }
0xa0: {  	_ =	swait.ge [sflag:s22], s20  }
0xa1: {  	s6 =	ssub.s32 $0x0, s20;
	[sflag:s22] =	ssyncset.done $0x0  }
0xa2: {  	[sflag:s22] =	ssyncadd.s32 s6;
	_ =	sdelay $0x1  }
0xa3: {  	s23 =	simm.s32 $0x1B8B  }
0xa4: {  	_ =	swait.ge [sflag:s23], $0x1  }
0xa5: {  	[sflag:s23] =	ssyncset.done $0x0  }
0xa6: {  	s25 =	simm.s32 $0x1B8E;
	s24 =	sld [smem:$0x3FFE];
	[sflag:s23] =	ssyncadd.s32 $0xFFFFFFFF  }
0xa7: {  	s26 =	simm.s32 $execute0_lowered;
	[smem:$0x3FD2] =	sst s25  }
0xa8: {  	s7 =	sshll.u32 s26, $0x1;
	_ =	strace $0x80000046;
	[dreg:$0x1] =	wrdreg $0xFFFFFFFF  }
0xa9: {  	s28 =	simm.s32 $_size_execute0_lowered;
	s5 =	sadd.s32 s5, s7;
	[dreg:$0x0] =	wrdreg $0x0  }
0xaa: {  	s7 =	sshll.u32 s28, $0x1;
	[dreg:$0x2] =	wrdreg s5  }
0xab: {  	[dreg:$0x3] =	wrdreg s7  }
0xac: {  	[dreg:$0x4] =	wrdreg $0xC0  }
0xad: {  	_ =	task [dreg:s9], $0x5FFFF  }
0xae: {  	[dreg:$0x1] =	wrdreg $0xFFFFFFFF  }
0xaf: {  	[dreg:$0x0] =	wrdreg $0x60  }
0xb0: {  	[dreg:$0x2] =	wrdreg s2  }
0xb1: {  	[dreg:$0x3] =	wrdreg s18  }
0xb2: {  	[dreg:$0x4] =	wrdreg s4  }
0xb3: {  	[dreg:$0x5] =	wrdreg s24  }
0xb4: {  	[dreg:$0x6] =	wrdreg $0x9  }
0xb5: {  	_ =	task.clear_ibuf [dreg:s9], $0x7FFFF;
	_ =	strace $0x90000046  }
0xb6: {  	s29 =	simm.s32 $0x9;
	_ =	strace $0x80000048  }
0xb7: {  	_ =	swait.ge [sflag:s29], $0x1  }
0xb8: {  	[sflag:s29] =	ssyncadd.s32 $0xFFFFFFFF  }
0xb9: {  	_ =	strace $0x90000048  }
0xba: {  	_ =	sfence  }
0xbb: {  	s30 =	sld [smem:$0x0];
	_ =	sdelay $0x2  }
0xbc: {  	s31 =	sshll.u32 s1, $0xD;
	s1 =	sshrl.u32 s1, $0x2  }
0xbd: {  	s3 =	sand.u32 $0x4000, s31;
	s1 =	sadd.s32 s1, s30  }
0xbe: {  	s0 =	sor.u32 s3, s0;
	s1 =	sshll.u32 s1, $0x11  }
0xbf: {  	s0 =	sor.u32 s1, s0  }
0xc0: {  	s0 =	sadd.s32 $0x8F2B, s0  }
0xc1: {  	[sflag:s0] =	ssyncadd.remote.s32 $0x1  }
0xc2: {  	_ =	sfence.sel $0xFFFF  }
0xc3: {  	[dreg:$0x0] =	wrdreg $0xFFFFFFFF;
	(pc) =	sbr.abs _section_cstart, $3  }
0xc4: {  	[dreg:$0x1] =	wrdreg $0xFFFFFFFF  }
0xc5: {  	_ =	task.clear_ibuf [dreg:s9], $0x2FFFF;
	_ =	strace $0x9FFFFFFF  }
0xc6: {  	(tm) =	ssettm $0x7FFFFFFF  }
0xc7: {  	_ =	shalt  }
tec
execute0_lowered:
.L_overlay_start_1:
0x0: {  	(tag) =	ssettag $0x1  }
0x1: {  	s0 =	rddreg [dreg:$0x0]  }
0x2: {  	s1 =	rddreg [dreg:$0x1]  }
0x3: {  	s5 =	rddreg [dreg:$0x2]  }
0x4: {  	s6 =	rddreg [dreg:$0x3];
	s3 =	srdreg.scid;
	s2 =	simm.s32 $0x0  }
0x5: {  	s4 =	stileid.u32;
	s19 =	simm.s32 $0x2;
	s20 =	simm.s32 $0x200  }
0x6: {  	s21 =	simm.s32 $0x400;
	s28 =	simm.s32 $0x480;
	s30 =	simm.s32 $0x180  }
0x7: {  	s31 =	simm.s32 $0x380;
	s29 =	simm.s32 $0x1;
	s7 =	sand.u32 $0x1, s3  }
0x8: {  	[smem:$0x7FF] =	sst s2;
	s4 =	sshll.u32 s4, $0xA;
	s3 =	sadd.s32 $0xF42800, s6  }
0x9: {  	s8 =	sshll.u32 s7, $0x9;
	_ =	strace $0x80000047;
	s7 =	ssub.s32 $0x2, s7  }
0xa: {  	s8 =	sor.u32 s8, s4;
	s4 =	sadd.s32 $0x16E3A00, s6;
	s22 =	sshrl.u32 s7, $0x1  }
0xb: {  	s9 =	sshll.u32 s8, $0x1;
	s8 =	sshrl.u32 s8, $0x3;
	s7 =	ssub.s32 s7, s22  }
0xc: {  	s22 =	simm.s32 $0x80;
	s6 =	sadd.s32 s9, s6;
	s23 =	sadd.s32 s0, s8  }
0xd: {  	s10 =	sor.u32 $0x10, s8;
	s24 =	sadd.s32 s1, s8;
	[dreg:$0x5] =	wrdreg s23  }
0xe: {  	s25 =	sadd.s32 s5, s8;
	s13 =	sor.u32 $0x20, s8;
	[dreg:$0x6] =	wrdreg s24  }
0xf: {  	s8 =	sor.u32 $0x30, s8;
	s18 =	smax.u32 s7, $0x1;
	[dreg:$0x7] =	wrdreg s25  }
0x10: {  	s26 =	sadd.s32 s0, s10;
	s9 =	sadd.s32 s1, s10;
	s10 =	sadd.s32 s5, s10  }
0x11: {  	s11 =	sadd.s32 s0, s13;
	s12 =	sadd.s32 s1, s13;
	s13 =	sadd.s32 s5, s13  }
0x12: {  	s14 =	sadd.s32 s0, s8;
	s15 =	sadd.s32 s1, s8;
	s16 =	sadd.s32 s5, s8  }
0x13: {  	s17 =	sadd.s32 $0x400, s6;
	s0 =	simm.s32 $0x100;
	s1 =	simm.s32 $0x300  }
0x14: {  	s23 =	simm.s32 $0x500;
	s24 =	simm.s32 $0x580;
	s25 =	simm.s32 $0x18600  }
0x15: {  	s5 =	simm.s32 $0x0;
	[dreg:$0x8] =	wrdreg s26;
	s26 =	simm.s32 $0x280  }
.LBB2_1:
0x16: {  	s6 =	rddreg [dreg:$0x5]  }
0x17: {  	[tilespmem:s2], [sflag:$0x2] =	stream.linear.gather [hbm4b:s6+s2], $0x80, $0x38;
	[tilespmem:$0x1A600] =	vst v63  }
0x18: {  	_ =	swait.ge [sflag:s19], $0x80  }
0x19: {  	[sflag:s19] =	ssyncset.done $0x0  }
0x1a: {  	s7 =	rddreg [dreg:$0x6];
	[sflag:s19] =	ssyncadd.s32 $0xFFFFFF80  }
0x1b: {  	[tilespmem:s20], [sflag:$0x2] =	stream.linear.gather [hbm4b:s7+s2], $0x80, $0x38;
	[tilespmem:$0x1A600] =	vst v63  }
0x1c: {  	_ =	swait.ge [sflag:s19], $0x80  }
0x1d: {  	[sflag:s19] =	ssyncset.done $0x0  }
0x1e: {  	s8 =	rddreg [dreg:$0x7];
	[sflag:s19] =	ssyncadd.s32 $0xFFFFFF80  }
0x1f: {  	[tilespmem:s21], [sflag:$0x2] =	stream.linear.gather [hbm4b:s8+s2], $0x80, $0x38;
	[tilespmem:$0x1A600] =	vst v63  }
0x20: {  	_ =	swait.ge [sflag:s19], $0x80  }
0x21: {  	[sflag:s19] =	ssyncset.done $0x0  }
0x22: {  	s7 =	simm.s32 $0x600;
	[sflag:s19] =	ssyncadd.s32 $0xFFFFFF80  }
0x23: {  	[tilespmem:s7], [sflag:$0x1] =	stream.indirect.gather [hbm4b:s3+s22], $0x40, s2, s22, $0xb8;
	[tilespmem:$0x1A600] =	vst v63  }
0x24: {  	s8 =	simm.s32 $0x8600  }
0x25: {  	[tilespmem:s8], [sflag:$0x1] =	stream.indirect.gather [hbm4b:s4+s22], $0x40, s20, s22, $0xb8;
	[tilespmem:$0x1A600] =	vst v63  }
0x26: {  	s7 =	simm.s32 $0x10600  }
0x27: {  	[tilespmem:s7], [sflag:$0x1] =	stream.indirect.gather [hbm4b:s4+s22], $0x40, s21, s22, $0xb8;
	[tilespmem:$0x1A600] =	vst v63  }
0x28: {  	s8 =	rddreg [dreg:$0x8]  }
0x29: {  	[tilespmem:s22], [sflag:$0x2] =	stream.linear.gather [hbm4b:s8+s2], $0x80, $0x38;
	[tilespmem:$0x1A600] =	vst v63  }
0x2a: {  	_ =	swait.ge [sflag:s19], $0x80  }
0x2b: {  	[sflag:s19] =	ssyncset.done $0x0  }
0x2c: {  	[sflag:s19] =	ssyncadd.s32 $0xFFFFFF80  }
0x2d: {  	[tilespmem:s26], [sflag:$0x2] =	stream.linear.gather [hbm4b:s9+s2], $0x80, $0x38;
	[tilespmem:$0x1A600] =	vst v63  }
0x2e: {  	_ =	swait.ge [sflag:s19], $0x80  }
0x2f: {  	[sflag:s19] =	ssyncset.done $0x0  }
0x30: {  	[sflag:s19] =	ssyncadd.s32 $0xFFFFFF80  }
0x31: {  	[tilespmem:s28], [sflag:$0x2] =	stream.linear.gather [hbm4b:s10+s2], $0x80, $0x38;
	[tilespmem:$0x1A600] =	vst v63  }
0x32: {  	_ =	swait.ge [sflag:s19], $0x80  }
0x33: {  	[sflag:s19] =	ssyncset.done $0x0  }
0x34: {  	s7 =	simm.s32 $0x2600;
	[sflag:s19] =	ssyncadd.s32 $0xFFFFFF80  }
0x35: {  	[tilespmem:s7], [sflag:$0x1] =	stream.indirect.gather [hbm4b:s3+s22], $0x40, s22, s22, $0xb8;
	[tilespmem:$0x1A600] =	vst v63  }
0x36: {  	s8 =	simm.s32 $0xA600  }
0x37: {  	[tilespmem:s8], [sflag:$0x1] =	stream.indirect.gather [hbm4b:s4+s22], $0x40, s26, s22, $0xb8;
	[tilespmem:$0x1A600] =	vst v63  }
0x38: {  	s7 =	simm.s32 $0x12600  }
0x39: {  	[tilespmem:s7], [sflag:$0x1] =	stream.indirect.gather [hbm4b:s4+s22], $0x40, s28, s22, $0xb8;
	[tilespmem:$0x1A600] =	vst v63  }
0x3a: {  	_ = 	snop  }
0x3b: {  	[tilespmem:s0], [sflag:$0x2] =	stream.linear.gather [hbm4b:s11+s2], $0x80, $0x38;
	[tilespmem:$0x1A600] =	vst v63  }
0x3c: {  	_ =	swait.ge [sflag:s19], $0x80  }
0x3d: {  	[sflag:s19] =	ssyncset.done $0x0  }
0x3e: {  	[sflag:s19] =	ssyncadd.s32 $0xFFFFFF80  }
0x3f: {  	[tilespmem:s1], [sflag:$0x2] =	stream.linear.gather [hbm4b:s12+s2], $0x80, $0x38;
	[tilespmem:$0x1A600] =	vst v63  }
0x40: {  	_ =	swait.ge [sflag:s19], $0x80  }
0x41: {  	[sflag:s19] =	ssyncset.done $0x0  }
0x42: {  	[sflag:s19] =	ssyncadd.s32 $0xFFFFFF80  }
0x43: {  	[tilespmem:s23], [sflag:$0x2] =	stream.linear.gather [hbm4b:s13+s2], $0x80, $0x38;
	[tilespmem:$0x1A600] =	vst v63  }
0x44: {  	_ =	swait.ge [sflag:s19], $0x80  }
0x45: {  	[sflag:s19] =	ssyncset.done $0x0  }
0x46: {  	s8 =	simm.s32 $0x4600;
	[sflag:s19] =	ssyncadd.s32 $0xFFFFFF80  }
0x47: {  	[tilespmem:s8], [sflag:$0x1] =	stream.indirect.gather [hbm4b:s3+s22], $0x40, s0, s22, $0xb8;
	[tilespmem:$0x1A600] =	vst v63  }
0x48: {  	s7 =	simm.s32 $0xC600  }
0x49: {  	[tilespmem:s7], [sflag:$0x1] =	stream.indirect.gather [hbm4b:s4+s22], $0x40, s1, s22, $0xb8;
	[tilespmem:$0x1A600] =	vst v63  }
0x4a: {  	s8 =	simm.s32 $0x14600  }
0x4b: {  	[tilespmem:s8], [sflag:$0x1] =	stream.indirect.gather [hbm4b:s4+s22], $0x40, s23, s22, $0xb8;
	[tilespmem:$0x1A600] =	vst v63  }
0x4c: {  	_ = 	snop  }
0x4d: {  	[tilespmem:s30], [sflag:$0x2] =	stream.linear.gather [hbm4b:s14+s2], $0x80, $0x38;
	[tilespmem:$0x1A600] =	vst v63  }
0x4e: {  	_ =	swait.ge [sflag:s19], $0x80  }
0x4f: {  	[sflag:s19] =	ssyncset.done $0x0  }
0x50: {  	[sflag:s19] =	ssyncadd.s32 $0xFFFFFF80  }
0x51: {  	[tilespmem:s31], [sflag:$0x2] =	stream.linear.gather [hbm4b:s15+s2], $0x80, $0x38;
	[tilespmem:$0x1A600] =	vst v63  }
0x52: {  	_ =	swait.ge [sflag:s19], $0x80  }
0x53: {  	[sflag:s19] =	ssyncset.done $0x0  }
0x54: {  	[sflag:s19] =	ssyncadd.s32 $0xFFFFFF80  }
0x55: {  	[tilespmem:s24], [sflag:$0x2] =	stream.linear.gather [hbm4b:s16+s2], $0x80, $0x38;
	[tilespmem:$0x1A600] =	vst v63  }
0x56: {  	_ =	swait.ge [sflag:s19], $0x80  }
0x57: {  	[sflag:s19] =	ssyncset.done $0x0  }
0x58: {  	s7 =	simm.s32 $0x6600;
	[sflag:s19] =	ssyncadd.s32 $0xFFFFFF80  }
0x59: {  	[tilespmem:s7], [sflag:$0x1] =	stream.indirect.gather [hbm4b:s3+s22], $0x40, s30, s22, $0xb8;
	[tilespmem:$0x1A600] =	vst v63  }
0x5a: {  	s8 =	simm.s32 $0xE600  }
0x5b: {  	[tilespmem:s8], [sflag:$0x1] =	stream.indirect.gather [hbm4b:s4+s22], $0x40, s31, s22, $0xb8;
	[tilespmem:$0x1A600] =	vst v63  }
0x5c: {  	s7 =	simm.s32 $0x16600  }
0x5d: {  	[tilespmem:s7], [sflag:$0x1] =	stream.indirect.gather [hbm4b:s4+s22], $0x40, s24, s22, $0xb8;
	[tilespmem:$0x1A600] =	vst v63  }
0x5e: {  	_ =	swait.ge [sflag:s29], $0x2000  }
0x5f: {  	[sflag:s29] =	ssyncset.done $0x0  }
0x60: {  	[sflag:s29] =	ssyncadd.s32 $0xFFFFE000  }
0x61: {  	_ =	swait.ge [sflag:s29], $0x2000  }
0x62: {  	[sflag:s29] =	ssyncset.done $0x0  }
0x63: {  	[sflag:s29] =	ssyncadd.s32 $0xFFFFE000  }
0x64: {  	_ =	swait.ge [sflag:s29], $0x2000  }
0x65: {  	[sflag:s29] =	ssyncset.done $0x0  }
0x66: {  	[sflag:s29] =	ssyncadd.s32 $0xFFFFE000  }
0x67: {  	_ =	swait.ge [sflag:s29], $0x2000  }
0x68: {  	[sflag:s29] =	ssyncset.done $0x0  }
0x69: {  	[sflag:s29] =	ssyncadd.s32 $0xFFFFE000  }
0x6a: {  	_ =	swait.ge [sflag:s29], $0x2000  }
0x6b: {  	[sflag:s29] =	ssyncset.done $0x0  }
0x6c: {  	[sflag:s29] =	ssyncadd.s32 $0xFFFFE000  }
0x6d: {  	_ =	swait.ge [sflag:s29], $0x2000  }
0x6e: {  	[sflag:s29] =	ssyncset.done $0x0  }
0x6f: {  	[sflag:s29] =	ssyncadd.s32 $0xFFFFE000  }
0x70: {  	_ =	swait.ge [sflag:s29], $0x2000  }
0x71: {  	[sflag:s29] =	ssyncset.done $0x0  }
0x72: {  	[sflag:s29] =	ssyncadd.s32 $0xFFFFE000  }
0x73: {  	_ =	swait.ge [sflag:s29], $0x2000  }
0x74: {  	[sflag:s29] =	ssyncset.done $0x0  }
0x75: {  	[sflag:s29] =	ssyncadd.s32 $0xFFFFE000  }
0x76: {  	_ =	swait.ge [sflag:s29], $0x2000  }
0x77: {  	[sflag:s29] =	ssyncset.done $0x0  }
0x78: {  	[sflag:s29] =	ssyncadd.s32 $0xFFFFE000  }
0x79: {  	_ =	swait.ge [sflag:s29], $0x2000  }
0x7a: {  	[sflag:s29] =	ssyncset.done $0x0  }
0x7b: {  	[sflag:s29] =	ssyncadd.s32 $0xFFFFE000  }
0x7c: {  	_ =	swait.ge [sflag:s29], $0x2000  }
0x7d: {  	[sflag:s29] =	ssyncset.done $0x0  }
0x7e: {  	[sflag:s29] =	ssyncadd.s32 $0xFFFFE000  }
0x7f: {  	_ =	swait.ge [sflag:s29], $0x2000  }
0x80: {  	[sflag:s29] =	ssyncset.done $0x0  }
0x81: {  	s8 =	simm.s32 $0x0;
	[sflag:s29] =	ssyncadd.s32 $0xFFFFE000  }
0x82: {  	v0 =	vld [tilespmem:s8+$0x620]  }
0x83: {  	v1 =	vld [tilespmem:s8+$0x610]  }
0x84: {  	v2 =	vld [tilespmem:s8+$0x600]  }
0x85: {  	v3 =	vld [tilespmem:s8+$0x8600]  }
0x86: {  	v4 =	vld [tilespmem:s8+$0x10600]  }
0x87: {  	v5 =	vld [tilespmem:s8+$0x8610]  }
0x88: {  	v6 =	vld [tilespmem:s8+$0x10610]  }
0x89: {  	v7 =	vld [tilespmem:s8+$0x8620]  }
0x8a: {  	v8 =	vld [tilespmem:s8+$0x10620]  }
0x8b: {  	v9 =	vld [tilespmem:s8+$0x10630];
	v3 =	vsub.f32 v3, v4  }
0x8c: {  	v4 =	vld [tilespmem:s8+$0x8630]  }
0x8d: {  	v2 =	vmul.f32 v3, v2;
	v3 =	vsub.f32 v5, v6  }
0x8e: {  	v5 =	vld [tilespmem:s8+$0x630]  }
0x8f: {  	v2 =	vadd.f32 $0.0e+00, v2;
	v1 =	vmul.f32 v3, v1;
	v3 =	vsub.f32 v7, v8;
	_ =	sdelay $0x1  }
0x90: {  	v1 =	vadd.f32 v1, v2;
	v0 =	vmul.f32 v3, v0;
	v2 =	vsub.f32 v4, v9;
	_ =	sdelay $0x1  }
0x91: {  	v0 =	vadd.f32 v0, v1;
	v1 =	vmul.f32 v2, v5;
	_ =	sdelay $0x1  }
0x92: {  	v0 =	vadd.f32 v1, v0;
	_ =	sdelay $0x1  }
0x93: {  	s8 =	simm.s32 $0x40;
	[tilespmem:s25+$0x0] =	vst v0  }
0x94: {  	v0 =	vld [tilespmem:s8+$0x620]  }
0x95: {  	v1 =	vld [tilespmem:s8+$0x610]  }
0x96: {  	v2 =	vld [tilespmem:s8+$0x600]  }
0x97: {  	s6 =	simm.s32 $0x18600;
	s7 =	simm.s32 $0x200;
	v3 =	vld [tilespmem:s8+$0x8600]  }
.LBB2_2:
0x98: {  	p0 =	sne.s32 s7, $0x1FF00;
	v4 =	vld [tilespmem:s8+$0x10600]  }
0x99: {  	v5 =	vld [tilespmem:s8+$0x8610]  }
0x9a: {  	v6 =	vld [tilespmem:s8+$0x10610]  }
0x9b: {  	v7 =	vld [tilespmem:s8+$0x8620]  }
0x9c: {  	v8 =	vld [tilespmem:s8+$0x10620]  }
0x9d: {  	v3 =	vsub.f32 v3, v4;
	v4 =	vld [tilespmem:s8+$0x8630]  }
0x9e: {  	v9 =	vld [tilespmem:s8+$0x10630]  }
0x9f: {  	v2 =	vmul.f32 v3, v2;
	v3 =	vsub.f32 v5, v6  }
0xa0: {  	v5 =	vld [tilespmem:s8+$0x630]  }
0xa1: {  	v2 =	vadd.f32 $0.0e+00, v2;
	v1 =	vmul.f32 v3, v1;
	v3 =	vsub.f32 v7, v8;
	_ =	sdelay $0x1  }
0xa2: {  	v1 =	vadd.f32 v1, v2;
	v0 =	vmul.f32 v3, v0;
	v2 =	vsub.f32 v4, v9;
	_ =	sdelay $0x1  }
0xa3: {  	v0 =	vadd.f32 v0, v1;
	v1 =	vmul.f32 v2, v5;
	_ =	sdelay $0x1  }
0xa4: {  	v0 =	vadd.f32 v1, v0  }
0xa5: {  	s6 =	sadd.s32 $0x10, s6  }
.Ltmp0:
0xa6: {  	s8 =	sshra.s32 s7, $0x2;
	[tilespmem:s6+$0x0] =	vst v0;
	(pc) =	sbr.rel @p0 .LBB2_2-.Ltmp0, $4  }
0xa7: {  	v0 =	vld [tilespmem:s8+$0x620]  }
0xa8: {  	v1 =	vld [tilespmem:s8+$0x610]  }
0xa9: {  	v2 =	vld [tilespmem:s8+$0x600]  }
0xaa: {  	s7 =	sadd.s32 $0x100, s7;
	v3 =	vld [tilespmem:s8+$0x8600]  }
0xab: {  	v4 =	vld [tilespmem:s8+$0x10600]  }
0xac: {  	v5 =	vld [tilespmem:s8+$0x8610]  }
0xad: {  	v6 =	vld [tilespmem:s8+$0x10610]  }
0xae: {  	v7 =	vld [tilespmem:s8+$0x8620]  }
0xaf: {  	v8 =	vld [tilespmem:s8+$0x10620]  }
0xb0: {  	v58 =	vld [tilespmem:s8+$0x8630];
	v3 =	vsub.f32 v3, v4  }
0xb1: {  	v9 =	vld [tilespmem:s8+$0x10630]  }
0xb2: {  	v59 =	vsub.f32 v5, v6;
	v2 =	vmul.f32 v3, v2  }
0xb3: {  	v60 =	vld [tilespmem:s8+$0x630]  }
0xb4: {  	v61 =	vsub.f32 v7, v8;
	v1 =	vmul.f32 v59, v1;
	v2 =	vadd.f32 $0.0e+00, v2;
	_ =	sdelay $0x1  }
0xb5: {  	v62 =	vsub.f32 v58, v9;
	v0 =	vmul.f32 v61, v0;
	v1 =	vadd.f32 v1, v2;
	_ =	sdelay $0x1  }
0xb6: {  	v63 =	vmul.f32 v62, v60;
	v0 =	vadd.f32 v0, v1;
	_ =	sdelay $0x1  }
0xb7: {  	s5 =	sadd.s32 $0x1, s5;
	v0 =	vadd.f32 v63, v0  }
0xb8: {  	s6 =	sadd.s32 $0x10, s6;
	p0 =	sne.s32 s5, s18  }
.Ltmp1:
0xb9: {  	[tilespmem:s6+$0x0] =	vst v0;
	(pc) =	sbr.rel @p0 .LBB2_1-.Ltmp1, $4  }
0xba: {  	[hbm4b:s17+s2] =	stream.linear.scatter [tilespmem:s25], [sflag:$0x2], $0x2000, $0x38;
	[tilespmem:$0x1A600] =	vst v63  }
0xbb: {  	_ =	swait.ge [sflag:s19], $0x2000  }
0xbc: {  	[sflag:s19] =	ssyncset.done $0x0  }
0xbd: {  	[sflag:s19] =	ssyncadd.s32 $0xFFFFE000  }
0xbe: {  	_ =	sfence.sel $0x180000  }
0xbf: {  	[bflag:$0x0] =	sbarrier.arrive $0xFFFF  }
0xc0: {  	_ =	strace $0x90000047  }
0xc1: {  	s0 =	stileid.u32;
	[bflag:$0x2] =	sbarrier.arrive $0xFFFF  }
0xc2: {  	p0 =	sne.s32 s0, $0x0;
	s0 =	rddreg [dreg:$0x4]  }
0xc3: {  	s0 =	sadd.s32 @!p0 $0x100000, s0  }
0xc4: {  	[sflag:s0] =	ssyncadd.tile.s32 @!p0 $0x1;
	_ =	shalt  }
.Lfunc_end2:
_tile_overlayer_lowered:
.L_overlay_start_2:
0xc5: {  	(tag) =	ssettag $0x2  }
0xc6: {  	s0 =	rddreg [dreg:$0x0];
	s2 =	stileid.u32  }
0xc7: {  	s1 =	rddreg [dreg:$0x1];
	p0 =	sne.s32 s2, $0x0  }
0xc8: {  	s3 =	rddreg [dreg:$0x2];
	[bflag:$0x3] =	sbarrier.arrive $0xFFFF;
	s2 =	simm.s32 @!p0 $0x1C02  }
0xc9: {  	[timem:s3], [sflag:s2] =	dma.local @!p0 [hbm:s0], s1  }
0xca: {  	s0 =	simm.s32 @!p0 $0x2  }
0xcb: {  	_ =	swait.ge @!p0 [sflag:s0], s1  }
0xcc: {  	s1 =	ssub.s32 @!p0 $0x0, s1;
	[sflag:s0] =	ssyncset.done @!p0 $0x0  }
0xcd: {  	[sflag:s0] =	ssyncadd.s32 @!p0 s1  }
0xce: {  	[bflag:$0x3] =	sbarrier.arrive $0xFFFF  }
0xcf: {  	_ =	shalt  }

</sc_bundles>
